<compile_context>
chip_gen: v7x
topology: tpu7x:2x2x1
jax: 0.10.2.dev20260603
libtpu: 0.0.44.dev20260713+nightly
codegen_flags: <defaults>
</compile_context>

<pallas_src>
import functools

import jax
import jax.numpy as jnp
from jax import lax
from jax.experimental import pallas as pl
from jax.experimental.pallas import tpu as pltpu
from jax.experimental.pallas import tpu_sc as plsc

VOCAB = 1000000
D = 64
R, C = 4096, 200
CA, CB = 128, C - 128
NC, NS = 2, 16
NW = NC * NS
RPW = R // NW
NCHUNK = RPW * 2
NBUF = 8
AHEAD = 6
SLACK = NBUF - AHEAD


def _sc_gather(xa, xb, table):
  mesh = plsc.VectorSubcoreMesh(
      core_axis_name="c", subcore_axis_name="s", num_cores=NC, num_subcores=NS
  )

  @functools.partial(
      pl.kernel,
      out_type=jax.ShapeDtypeStruct((R, C, 128), jnp.float32),
      mesh=mesh,
      scratch_types=[
          pltpu.VMEM((RPW, CA), jnp.int32),
          pltpu.VMEM((RPW, CB), jnp.int32),
          pltpu.VMEM((NBUF, CA, D), jnp.float32),
          pltpu.SemaphoreType.DMA((NBUF,)),
          pltpu.SemaphoreType.DMA((NBUF,)),
      ],
      compiler_params=pltpu.CompilerParams(use_tc_tiling_on_sc=False),
  )
  def k(table_hbm, xa_hbm, xb_hbm, out_hbm, xa_v, xb_v, rows_v, gsem, wsem):
    wid = lax.axis_index("s") * NC + lax.axis_index("c")
    row0 = wid * RPW
    pltpu.sync_copy(xa_hbm.at[pl.ds(row0, RPW)], xa_v)
    pltpu.sync_copy(xb_hbm.at[pl.ds(row0, RPW)], xb_v)

    def g_desc(r, buf, even):
      if even:
        return pltpu.make_async_copy(
            table_hbm.at[xa_v.at[r]], rows_v.at[buf], gsem.at[buf])
      return pltpu.make_async_copy(
          table_hbm.at[xb_v.at[r]],
          rows_v.at[buf, pl.ds(0, CB)],
          gsem.at[buf])

    def w_desc(r, buf, even):
      if even:
        return pltpu.make_async_copy(
            rows_v.at[buf],
            out_hbm.at[row0 + r, pl.ds(0, CA), pl.ds(0, D)],
            wsem.at[buf])
      return pltpu.make_async_copy(
          rows_v.at[buf, pl.ds(0, CB)],
          out_hbm.at[row0 + r, pl.ds(CA, CB), pl.ds(0, D)],
          wsem.at[buf])

    def by_parity(j, buf, mk, act):
      r = lax.div(j, 2)
      even = lax.rem(j, 2) == 0

      @pl.when(even)
      def _():
        act(mk(r, buf, True))

      @pl.when(jnp.logical_not(even))
      def _():
        act(mk(r, buf, False))

    gather = lambda j, buf: by_parity(j, buf, g_desc, lambda d: d.start())
    gather_wait = lambda j, buf: by_parity(j, buf, g_desc, lambda d: d.wait())
    write = lambda j, buf: by_parity(j, buf, w_desc, lambda d: d.start())
    write_wait = lambda j, buf: by_parity(j, buf, w_desc, lambda d: d.wait())

    for b in range(AHEAD):
      gather(b, b)

    def body(j, _):
      g = j + AHEAD
      buf_g = lax.rem(g, NBUF)

      @pl.when(g < NCHUNK)
      def _refill():
        @pl.when(j >= SLACK)
        def _drain():
          write_wait(j - SLACK, buf_g)

        gather(g, buf_g)

      buf = lax.rem(j, NBUF)
      gather_wait(j, buf)
      write(j, buf)
      return _

    lax.fori_loop(0, NCHUNK, body, None)

    for t in range(NBUF):
      j = NCHUNK - NBUF + t
      write_wait(j, j % NBUF)

  return k(table, xa, xb)


def kernel(x, table):
  x = x.astype(jnp.int32)
  out128 = _sc_gather(x[:, :CA], x[:, CA:], table)
  return out128[..., :D]

# --- scband reference (transcript-rebuilt; emitter-appended) ---
"""Pipeline reference for scband-token-embedding-6227702579725 (READ-ONLY COPY).

The authoritative reference and input builder live on the scoring server;
editing this copy changes nothing except your own understanding.
"""

import jax, jax.numpy as jnp
import numpy as np

VOCAB = 1000000
D_EMBED = 64

def setup_inputs(seed: int = 0) -> dict:
    key = jax.random.key(seed)
    k_idx, k_tab = jax.random.split(key)
    x = jax.random.randint(k_idx, (4096, 200), 0, VOCAB, dtype=jnp.int64 if jax.config.jax_enable_x64 else jnp.int32)
    table = jax.random.normal(k_tab, (VOCAB, D_EMBED), dtype=jnp.float32)
    return {"x": x, "table": table}

def reference(x, table):
    # nn.Embedding forward: row gather from the embedding table
    out = jnp.take(table, x, axis=0)
    return out

if __name__ == "__main__":
    import jax
    _d = setup_inputs()
    print(jax.jit(kernel)(*tuple(_d.values())))

</pallas_src>

<mosaic_0001>
#map = affine_map<(d0, d1) -> (0, 0)>
#map1 = affine_map<(d0, d1) -> (0, 0, 0)>
module attributes {stable_mosaic.version = 14 : i64} {
  func.func @k(%arg0: i32, %arg1: i32, %arg2: memref<1000000x64xf32, #tpu.memory_space<hbm>>, %arg3: memref<4096x128xi32, #tpu.memory_space<hbm>>, %arg4: memref<4096x72xi32, #tpu.memory_space<hbm>>, %arg5: memref<4096x200x128xf32, #tpu.memory_space<hbm>>, %arg6: memref<128x128xi32, #tpu.memory_space<vmem>>, %arg7: memref<128x72xi32, #tpu.memory_space<vmem>>, %arg8: memref<8x128x64xf32, #tpu.memory_space<vmem>>, %arg9: memref<8x!tpu.dma_semaphore, #tpu.memory_space<semaphore_mem>>, %arg10: memref<8x!tpu.dma_semaphore, #tpu.memory_space<semaphore_mem>>) attributes {dimension_semantics = [#tpu.dimension_semantics<core_parallel>, #tpu.dimension_semantics<subcore_parallel>], iteration_bounds = array<i64: 2, 16>, scalar_prefetch = 0 : i64, scratch_operands = 5 : i64, tpu.core_type = #tpu.core_type<sc_vector_subcore>, window_params = [{transform_indices = #map}, {transform_indices = #map}, {transform_indices = #map}, {transform_indices = #map1}]} {
    %mul3A = arith.constant 2 : i32
    %mul3A_0 = arith.muli %arg1, %mul3A : i32
    %add3A = arith.addi %mul3A_0, %arg0 : i32
    %mul3A_1 = arith.constant 128 : i32
    %mul3A_2 = arith.muli %add3A, %mul3A_1 : i32
    "tpu.region"() ({
      %run_scoped3A = tpu.sem_alloc : memref<!tpu.dma_semaphore, #tpu.memory_space<semaphore_mem>>
      %dma_start3A = arith.constant 0 : i32
      %dma_start3A_225 = tpu.memref_slice %arg3[%mul3A_2, %dma_start3A] : memref<4096x128xi32, #tpu.memory_space<hbm>> -> memref<128x128xi32, #tpu.memory_space<hbm>>
      %dma_start3A_226 = arith.constant 0 : i32
      %dma_start3A_227 = tpu.memref_slice %arg3[%mul3A_2, %dma_start3A_226] : memref<4096x128xi32, #tpu.memory_space<hbm>> -> memref<128x128xi32, #tpu.memory_space<hbm>>
      tpu.enqueue_dma source(%dma_start3A_227 : memref<128x128xi32, #tpu.memory_space<hbm>>) target(%arg6 : memref<128x128xi32, #tpu.memory_space<vmem>>) target_semaphore(%run_scoped3A : memref<!tpu.dma_semaphore, #tpu.memory_space<semaphore_mem>>)
      %dma_wait3A = arith.constant 0 : i32
      %dma_wait3A_228 = tpu.memref_slice %arg3[%mul3A_2, %dma_wait3A] : memref<4096x128xi32, #tpu.memory_space<hbm>> -> memref<128x128xi32, #tpu.memory_space<hbm>>
      %dma_wait3A_229 = arith.constant 0 : i32
      %dma_wait3A_230 = tpu.memref_slice %arg3[%mul3A_2, %dma_wait3A_229] : memref<4096x128xi32, #tpu.memory_space<hbm>> -> memref<128x128xi32, #tpu.memory_space<hbm>>
      tpu.wait_dma2 semaphore(%run_scoped3A : memref<!tpu.dma_semaphore, #tpu.memory_space<semaphore_mem>>) src(%dma_wait3A_230 : memref<128x128xi32, #tpu.memory_space<hbm>>) dst(%arg6 : memref<128x128xi32, #tpu.memory_space<vmem>>)
      tpu.yield
    }) : () -> ()
    "tpu.region"() ({
      %run_scoped3A = tpu.sem_alloc : memref<!tpu.dma_semaphore, #tpu.memory_space<semaphore_mem>>
      %dma_start3A = arith.constant 0 : i32
      %dma_start3A_225 = tpu.memref_slice %arg4[%mul3A_2, %dma_start3A] : memref<4096x72xi32, #tpu.memory_space<hbm>> -> memref<128x72xi32, #tpu.memory_space<hbm>>
      %dma_start3A_226 = arith.constant 0 : i32
      %dma_start3A_227 = tpu.memref_slice %arg4[%mul3A_2, %dma_start3A_226] : memref<4096x72xi32, #tpu.memory_space<hbm>> -> memref<128x72xi32, #tpu.memory_space<hbm>>
      tpu.enqueue_dma source(%dma_start3A_227 : memref<128x72xi32, #tpu.memory_space<hbm>>) target(%arg7 : memref<128x72xi32, #tpu.memory_space<vmem>>) target_semaphore(%run_scoped3A : memref<!tpu.dma_semaphore, #tpu.memory_space<semaphore_mem>>)
      %dma_wait3A = arith.constant 0 : i32
      %dma_wait3A_228 = tpu.memref_slice %arg4[%mul3A_2, %dma_wait3A] : memref<4096x72xi32, #tpu.memory_space<hbm>> -> memref<128x72xi32, #tpu.memory_space<hbm>>
      %dma_wait3A_229 = arith.constant 0 : i32
      %dma_wait3A_230 = tpu.memref_slice %arg4[%mul3A_2, %dma_wait3A_229] : memref<4096x72xi32, #tpu.memory_space<hbm>> -> memref<128x72xi32, #tpu.memory_space<hbm>>
      tpu.wait_dma2 semaphore(%run_scoped3A : memref<!tpu.dma_semaphore, #tpu.memory_space<semaphore_mem>>) src(%dma_wait3A_230 : memref<128x72xi32, #tpu.memory_space<hbm>>) dst(%arg7 : memref<128x72xi32, #tpu.memory_space<vmem>>)
      tpu.yield
    }) : () -> ()
    %div3A = arith.constant 0 : i32
    %div3A_3 = arith.constant 2 : i32
    %div3A_4 = arith.divsi %div3A, %div3A_3 : i32
    %rem3A = arith.constant 0 : i32
    %rem3A_5 = arith.constant 2 : i32
    %rem3A_6 = arith.remsi %rem3A, %rem3A_5 : i32
    %eq3A = arith.constant 0 : i32
    %eq3A_7 = arith.cmpi eq, %rem3A_6, %eq3A : i32
    %convert_element_type3A = arith.extui %eq3A_7 : i1 to i32
    %cond3A = arith.constant 0 : i32
    %cond3A_8 = arith.cmpi ne, %convert_element_type3A, %cond3A : i32
    scf.if %cond3A_8 {
      %dma_start3A = arith.constant 0 : i32
      %dma_start3A_225 = arith.constant 0 : i32
      %dma_start3A_226 = arith.constant 0 : i32
      %dma_start3A_227 = arith.constant 0 : i32
      %dma_start3A_228 = tpu.memref_slice %arg8[%dma_start3A, %dma_start3A_226, %dma_start3A_227] : memref<8x128x64xf32, #tpu.memory_space<vmem>> -> memref<1x128x64xf32, #tpu.memory_space<vmem>>
      %dma_start3A_229 = tpu.memref_squeeze %dma_start3A_228 : memref<1x128x64xf32, #tpu.memory_space<vmem>> -> memref<128x64xf32, #tpu.memory_space<vmem>>
      %dma_start3A_230 = arith.constant 0 : i32
      %dma_start3A_231 = tpu.memref_slice %arg6[%div3A_4, %dma_start3A_230] : memref<128x128xi32, #tpu.memory_space<vmem>> -> memref<1x128xi32, #tpu.memory_space<vmem>>
      %dma_start3A_232 = tpu.memref_squeeze %dma_start3A_231 : memref<1x128xi32, #tpu.memory_space<vmem>> -> memref<128xi32, #tpu.memory_space<vmem>>
      %dma_start3A_233 = arith.constant 0 : i32
      %dma_start3A_234 = arith.constant 0 : i32
      %dma_start3A_235 = tpu.memref_slice %arg2[%dma_start3A_233, %dma_start3A_234] : memref<1000000x64xf32, #tpu.memory_space<hbm>> -> memref<1000000x64xf32, #tpu.memory_space<hbm>>
      %dma_start3A_236 = tpu.memref_slice %arg9[%dma_start3A_225] : memref<8x!tpu.dma_semaphore, #tpu.memory_space<semaphore_mem>> -> memref<1x!tpu.dma_semaphore, #tpu.memory_space<semaphore_mem>>
      %dma_start3A_237 = tpu.memref_squeeze %dma_start3A_236 : memref<1x!tpu.dma_semaphore, #tpu.memory_space<semaphore_mem>> -> memref<!tpu.dma_semaphore, #tpu.memory_space<semaphore_mem>>
      tpu.enqueue_indirect_dma source(%dma_start3A_235 : memref<1000000x64xf32, #tpu.memory_space<hbm>>) target(%dma_start3A_229 : memref<128x64xf32, #tpu.memory_space<vmem>>) offsets(%dma_start3A_232 : memref<128xi32, #tpu.memory_space<vmem>>) semaphore(%dma_start3A_237 : memref<!tpu.dma_semaphore, #tpu.memory_space<semaphore_mem>>)
    } else {
    }
    %not3A = arith.constant true
    %not3A_9 = arith.xori %eq3A_7, %not3A : i1
    %convert_element_type3A_10 = arith.extui %not3A_9 : i1 to i32
    %cond3A_11 = arith.constant 0 : i32
    %cond3A_12 = arith.cmpi ne, %convert_element_type3A_10, %cond3A_11 : i32
    scf.if %cond3A_12 {
      %dma_start3A = arith.constant 0 : i32
      %dma_start3A_225 = arith.constant 0 : i32
      %dma_start3A_226 = arith.constant 0 : i32
      %dma_start3A_227 = arith.constant 0 : i32
      %dma_start3A_228 = tpu.memref_slice %arg8[%dma_start3A, %dma_start3A_226, %dma_start3A_227] : memref<8x128x64xf32, #tpu.memory_space<vmem>> -> memref<1x72x64xf32, #tpu.memory_space<vmem>>
      %dma_start3A_229 = tpu.memref_squeeze %dma_start3A_228 : memref<1x72x64xf32, #tpu.memory_space<vmem>> -> memref<72x64xf32, #tpu.memory_space<vmem>>
      %dma_start3A_230 = arith.constant 0 : i32
      %dma_start3A_231 = tpu.memref_slice %arg7[%div3A_4, %dma_start3A_230] : memref<128x72xi32, #tpu.memory_space<vmem>> -> memref<1x72xi32, #tpu.memory_space<vmem>>
      %dma_start3A_232 = tpu.memref_squeeze %dma_start3A_231 : memref<1x72xi32, #tpu.memory_space<vmem>> -> memref<72xi32, #tpu.memory_space<vmem>>
      %dma_start3A_233 = arith.constant 0 : i32
      %dma_start3A_234 = arith.constant 0 : i32
      %dma_start3A_235 = tpu.memref_slice %arg2[%dma_start3A_233, %dma_start3A_234] : memref<1000000x64xf32, #tpu.memory_space<hbm>> -> memref<1000000x64xf32, #tpu.memory_space<hbm>>
      %dma_start3A_236 = tpu.memref_slice %arg9[%dma_start3A_225] : memref<8x!tpu.dma_semaphore, #tpu.memory_space<semaphore_mem>> -> memref<1x!tpu.dma_semaphore, #tpu.memory_space<semaphore_mem>>
      %dma_start3A_237 = tpu.memref_squeeze %dma_start3A_236 : memref<1x!tpu.dma_semaphore, #tpu.memory_space<semaphore_mem>> -> memref<!tpu.dma_semaphore, #tpu.memory_space<semaphore_mem>>
      tpu.enqueue_indirect_dma source(%dma_start3A_235 : memref<1000000x64xf32, #tpu.memory_space<hbm>>) target(%dma_start3A_229 : memref<72x64xf32, #tpu.memory_space<vmem>>) offsets(%dma_start3A_232 : memref<72xi32, #tpu.memory_space<vmem>>) semaphore(%dma_start3A_237 : memref<!tpu.dma_semaphore, #tpu.memory_space<semaphore_mem>>)
    } else {
    }
    %div3A_13 = arith.constant 1 : i32
    %div3A_14 = arith.constant 2 : i32
    %div3A_15 = arith.divsi %div3A_13, %div3A_14 : i32
    %rem3A_16 = arith.constant 1 : i32
    %rem3A_17 = arith.constant 2 : i32
    %rem3A_18 = arith.remsi %rem3A_16, %rem3A_17 : i32
    %eq3A_19 = arith.constant 0 : i32
    %eq3A_20 = arith.cmpi eq, %rem3A_18, %eq3A_19 : i32
    %convert_element_type3A_21 = arith.extui %eq3A_20 : i1 to i32
    %cond3A_22 = arith.constant 0 : i32
    %cond3A_23 = arith.cmpi ne, %convert_element_type3A_21, %cond3A_22 : i32
    scf.if %cond3A_23 {
      %dma_start3A = arith.constant 1 : i32
      %dma_start3A_225 = arith.constant 1 : i32
      %dma_start3A_226 = arith.constant 0 : i32
      %dma_start3A_227 = arith.constant 0 : i32
      %dma_start3A_228 = tpu.memref_slice %arg8[%dma_start3A, %dma_start3A_226, %dma_start3A_227] : memref<8x128x64xf32, #tpu.memory_space<vmem>> -> memref<1x128x64xf32, #tpu.memory_space<vmem>>
      %dma_start3A_229 = tpu.memref_squeeze %dma_start3A_228 : memref<1x128x64xf32, #tpu.memory_space<vmem>> -> memref<128x64xf32, #tpu.memory_space<vmem>>
      %dma_start3A_230 = arith.constant 0 : i32
      %dma_start3A_231 = tpu.memref_slice %arg6[%div3A_15, %dma_start3A_230] : memref<128x128xi32, #tpu.memory_space<vmem>> -> memref<1x128xi32, #tpu.memory_space<vmem>>
      %dma_start3A_232 = tpu.memref_squeeze %dma_start3A_231 : memref<1x128xi32, #tpu.memory_space<vmem>> -> memref<128xi32, #tpu.memory_space<vmem>>
      %dma_start3A_233 = arith.constant 0 : i32
      %dma_start3A_234 = arith.constant 0 : i32
      %dma_start3A_235 = tpu.memref_slice %arg2[%dma_start3A_233, %dma_start3A_234] : memref<1000000x64xf32, #tpu.memory_space<hbm>> -> memref<1000000x64xf32, #tpu.memory_space<hbm>>
      %dma_start3A_236 = tpu.memref_slice %arg9[%dma_start3A_225] : memref<8x!tpu.dma_semaphore, #tpu.memory_space<semaphore_mem>> -> memref<1x!tpu.dma_semaphore, #tpu.memory_space<semaphore_mem>>
      %dma_start3A_237 = tpu.memref_squeeze %dma_start3A_236 : memref<1x!tpu.dma_semaphore, #tpu.memory_space<semaphore_mem>> -> memref<!tpu.dma_semaphore, #tpu.memory_space<semaphore_mem>>
      tpu.enqueue_indirect_dma source(%dma_start3A_235 : memref<1000000x64xf32, #tpu.memory_space<hbm>>) target(%dma_start3A_229 : memref<128x64xf32, #tpu.memory_space<vmem>>) offsets(%dma_start3A_232 : memref<128xi32, #tpu.memory_space<vmem>>) semaphore(%dma_start3A_237 : memref<!tpu.dma_semaphore, #tpu.memory_space<semaphore_mem>>)
    } else {
    }
    %not3A_24 = arith.constant true
    %not3A_25 = arith.xori %eq3A_20, %not3A_24 : i1
    %convert_element_type3A_26 = arith.extui %not3A_25 : i1 to i32
    %cond3A_27 = arith.constant 0 : i32
    %cond3A_28 = arith.cmpi ne, %convert_element_type3A_26, %cond3A_27 : i32
    scf.if %cond3A_28 {
      %dma_start3A = arith.constant 1 : i32
      %dma_start3A_225 = arith.constant 1 : i32
      %dma_start3A_226 = arith.constant 0 : i32
      %dma_start3A_227 = arith.constant 0 : i32
      %dma_start3A_228 = tpu.memref_slice %arg8[%dma_start3A, %dma_start3A_226, %dma_start3A_227] : memref<8x128x64xf32, #tpu.memory_space<vmem>> -> memref<1x72x64xf32, #tpu.memory_space<vmem>>
      %dma_start3A_229 = tpu.memref_squeeze %dma_start3A_228 : memref<1x72x64xf32, #tpu.memory_space<vmem>> -> memref<72x64xf32, #tpu.memory_space<vmem>>
      %dma_start3A_230 = arith.constant 0 : i32
      %dma_start3A_231 = tpu.memref_slice %arg7[%div3A_15, %dma_start3A_230] : memref<128x72xi32, #tpu.memory_space<vmem>> -> memref<1x72xi32, #tpu.memory_space<vmem>>
      %dma_start3A_232 = tpu.memref_squeeze %dma_start3A_231 : memref<1x72xi32, #tpu.memory_space<vmem>> -> memref<72xi32, #tpu.memory_space<vmem>>
      %dma_start3A_233 = arith.constant 0 : i32
      %dma_start3A_234 = arith.constant 0 : i32
      %dma_start3A_235 = tpu.memref_slice %arg2[%dma_start3A_233, %dma_start3A_234] : memref<1000000x64xf32, #tpu.memory_space<hbm>> -> memref<1000000x64xf32, #tpu.memory_space<hbm>>
      %dma_start3A_236 = tpu.memref_slice %arg9[%dma_start3A_225] : memref<8x!tpu.dma_semaphore, #tpu.memory_space<semaphore_mem>> -> memref<1x!tpu.dma_semaphore, #tpu.memory_space<semaphore_mem>>
      %dma_start3A_237 = tpu.memref_squeeze %dma_start3A_236 : memref<1x!tpu.dma_semaphore, #tpu.memory_space<semaphore_mem>> -> memref<!tpu.dma_semaphore, #tpu.memory_space<semaphore_mem>>
      tpu.enqueue_indirect_dma source(%dma_start3A_235 : memref<1000000x64xf32, #tpu.memory_space<hbm>>) target(%dma_start3A_229 : memref<72x64xf32, #tpu.memory_space<vmem>>) offsets(%dma_start3A_232 : memref<72xi32, #tpu.memory_space<vmem>>) semaphore(%dma_start3A_237 : memref<!tpu.dma_semaphore, #tpu.memory_space<semaphore_mem>>)
    } else {
    }
    %div3A_29 = arith.constant 2 : i32
    %div3A_30 = arith.constant 2 : i32
    %div3A_31 = arith.divsi %div3A_29, %div3A_30 : i32
    %rem3A_32 = arith.constant 2 : i32
    %rem3A_33 = arith.constant 2 : i32
    %rem3A_34 = arith.remsi %rem3A_32, %rem3A_33 : i32
    %eq3A_35 = arith.constant 0 : i32
    %eq3A_36 = arith.cmpi eq, %rem3A_34, %eq3A_35 : i32
    %convert_element_type3A_37 = arith.extui %eq3A_36 : i1 to i32
    %cond3A_38 = arith.constant 0 : i32
    %cond3A_39 = arith.cmpi ne, %convert_element_type3A_37, %cond3A_38 : i32
    scf.if %cond3A_39 {
      %dma_start3A = arith.constant 2 : i32
      %dma_start3A_225 = arith.constant 2 : i32
      %dma_start3A_226 = arith.constant 0 : i32
      %dma_start3A_227 = arith.constant 0 : i32
      %dma_start3A_228 = tpu.memref_slice %arg8[%dma_start3A, %dma_start3A_226, %dma_start3A_227] : memref<8x128x64xf32, #tpu.memory_space<vmem>> -> memref<1x128x64xf32, #tpu.memory_space<vmem>>
      %dma_start3A_229 = tpu.memref_squeeze %dma_start3A_228 : memref<1x128x64xf32, #tpu.memory_space<vmem>> -> memref<128x64xf32, #tpu.memory_space<vmem>>
      %dma_start3A_230 = arith.constant 0 : i32
      %dma_start3A_231 = tpu.memref_slice %arg6[%div3A_31, %dma_start3A_230] : memref<128x128xi32, #tpu.memory_space<vmem>> -> memref<1x128xi32, #tpu.memory_space<vmem>>
      %dma_start3A_232 = tpu.memref_squeeze %dma_start3A_231 : memref<1x128xi32, #tpu.memory_space<vmem>> -> memref<128xi32, #tpu.memory_space<vmem>>
      %dma_start3A_233 = arith.constant 0 : i32
      %dma_start3A_234 = arith.constant 0 : i32
      %dma_start3A_235 = tpu.memref_slice %arg2[%dma_start3A_233, %dma_start3A_234] : memref<1000000x64xf32, #tpu.memory_space<hbm>> -> memref<1000000x64xf32, #tpu.memory_space<hbm>>
      %dma_start3A_236 = tpu.memref_slice %arg9[%dma_start3A_225] : memref<8x!tpu.dma_semaphore, #tpu.memory_space<semaphore_mem>> -> memref<1x!tpu.dma_semaphore, #tpu.memory_space<semaphore_mem>>
      %dma_start3A_237 = tpu.memref_squeeze %dma_start3A_236 : memref<1x!tpu.dma_semaphore, #tpu.memory_space<semaphore_mem>> -> memref<!tpu.dma_semaphore, #tpu.memory_space<semaphore_mem>>
      tpu.enqueue_indirect_dma source(%dma_start3A_235 : memref<1000000x64xf32, #tpu.memory_space<hbm>>) target(%dma_start3A_229 : memref<128x64xf32, #tpu.memory_space<vmem>>) offsets(%dma_start3A_232 : memref<128xi32, #tpu.memory_space<vmem>>) semaphore(%dma_start3A_237 : memref<!tpu.dma_semaphore, #tpu.memory_space<semaphore_mem>>)
    } else {
    }
    %not3A_40 = arith.constant true
    %not3A_41 = arith.xori %eq3A_36, %not3A_40 : i1
    %convert_element_type3A_42 = arith.extui %not3A_41 : i1 to i32
    %cond3A_43 = arith.constant 0 : i32
    %cond3A_44 = arith.cmpi ne, %convert_element_type3A_42, %cond3A_43 : i32
    scf.if %cond3A_44 {
      %dma_start3A = arith.constant 2 : i32
      %dma_start3A_225 = arith.constant 2 : i32
      %dma_start3A_226 = arith.constant 0 : i32
      %dma_start3A_227 = arith.constant 0 : i32
      %dma_start3A_228 = tpu.memref_slice %arg8[%dma_start3A, %dma_start3A_226, %dma_start3A_227] : memref<8x128x64xf32, #tpu.memory_space<vmem>> -> memref<1x72x64xf32, #tpu.memory_space<vmem>>
      %dma_start3A_229 = tpu.memref_squeeze %dma_start3A_228 : memref<1x72x64xf32, #tpu.memory_space<vmem>> -> memref<72x64xf32, #tpu.memory_space<vmem>>
      %dma_start3A_230 = arith.constant 0 : i32
      %dma_start3A_231 = tpu.memref_slice %arg7[%div3A_31, %dma_start3A_230] : memref<128x72xi32, #tpu.memory_space<vmem>> -> memref<1x72xi32, #tpu.memory_space<vmem>>
      %dma_start3A_232 = tpu.memref_squeeze %dma_start3A_231 : memref<1x72xi32, #tpu.memory_space<vmem>> -> memref<72xi32, #tpu.memory_space<vmem>>
      %dma_start3A_233 = arith.constant 0 : i32
      %dma_start3A_234 = arith.constant 0 : i32
      %dma_start3A_235 = tpu.memref_slice %arg2[%dma_start3A_233, %dma_start3A_234] : memref<1000000x64xf32, #tpu.memory_space<hbm>> -> memref<1000000x64xf32, #tpu.memory_space<hbm>>
      %dma_start3A_236 = tpu.memref_slice %arg9[%dma_start3A_225] : memref<8x!tpu.dma_semaphore, #tpu.memory_space<semaphore_mem>> -> memref<1x!tpu.dma_semaphore, #tpu.memory_space<semaphore_mem>>
      %dma_start3A_237 = tpu.memref_squeeze %dma_start3A_236 : memref<1x!tpu.dma_semaphore, #tpu.memory_space<semaphore_mem>> -> memref<!tpu.dma_semaphore, #tpu.memory_space<semaphore_mem>>
      tpu.enqueue_indirect_dma source(%dma_start3A_235 : memref<1000000x64xf32, #tpu.memory_space<hbm>>) target(%dma_start3A_229 : memref<72x64xf32, #tpu.memory_space<vmem>>) offsets(%dma_start3A_232 : memref<72xi32, #tpu.memory_space<vmem>>) semaphore(%dma_start3A_237 : memref<!tpu.dma_semaphore, #tpu.memory_space<semaphore_mem>>)
    } else {
    }
    %div3A_45 = arith.constant 3 : i32
    %div3A_46 = arith.constant 2 : i32
    %div3A_47 = arith.divsi %div3A_45, %div3A_46 : i32
    %rem3A_48 = arith.constant 3 : i32
    %rem3A_49 = arith.constant 2 : i32
    %rem3A_50 = arith.remsi %rem3A_48, %rem3A_49 : i32
    %eq3A_51 = arith.constant 0 : i32
    %eq3A_52 = arith.cmpi eq, %rem3A_50, %eq3A_51 : i32
    %convert_element_type3A_53 = arith.extui %eq3A_52 : i1 to i32
    %cond3A_54 = arith.constant 0 : i32
    %cond3A_55 = arith.cmpi ne, %convert_element_type3A_53, %cond3A_54 : i32
    scf.if %cond3A_55 {
      %dma_start3A = arith.constant 3 : i32
      %dma_start3A_225 = arith.constant 3 : i32
      %dma_start3A_226 = arith.constant 0 : i32
      %dma_start3A_227 = arith.constant 0 : i32
      %dma_start3A_228 = tpu.memref_slice %arg8[%dma_start3A, %dma_start3A_226, %dma_start3A_227] : memref<8x128x64xf32, #tpu.memory_space<vmem>> -> memref<1x128x64xf32, #tpu.memory_space<vmem>>
      %dma_start3A_229 = tpu.memref_squeeze %dma_start3A_228 : memref<1x128x64xf32, #tpu.memory_space<vmem>> -> memref<128x64xf32, #tpu.memory_space<vmem>>
      %dma_start3A_230 = arith.constant 0 : i32
      %dma_start3A_231 = tpu.memref_slice %arg6[%div3A_47, %dma_start3A_230] : memref<128x128xi32, #tpu.memory_space<vmem>> -> memref<1x128xi32, #tpu.memory_space<vmem>>
      %dma_start3A_232 = tpu.memref_squeeze %dma_start3A_231 : memref<1x128xi32, #tpu.memory_space<vmem>> -> memref<128xi32, #tpu.memory_space<vmem>>
      %dma_start3A_233 = arith.constant 0 : i32
      %dma_start3A_234 = arith.constant 0 : i32
      %dma_start3A_235 = tpu.memref_slice %arg2[%dma_start3A_233, %dma_start3A_234] : memref<1000000x64xf32, #tpu.memory_space<hbm>> -> memref<1000000x64xf32, #tpu.memory_space<hbm>>
      %dma_start3A_236 = tpu.memref_slice %arg9[%dma_start3A_225] : memref<8x!tpu.dma_semaphore, #tpu.memory_space<semaphore_mem>> -> memref<1x!tpu.dma_semaphore, #tpu.memory_space<semaphore_mem>>
      %dma_start3A_237 = tpu.memref_squeeze %dma_start3A_236 : memref<1x!tpu.dma_semaphore, #tpu.memory_space<semaphore_mem>> -> memref<!tpu.dma_semaphore, #tpu.memory_space<semaphore_mem>>
      tpu.enqueue_indirect_dma source(%dma_start3A_235 : memref<1000000x64xf32, #tpu.memory_space<hbm>>) target(%dma_start3A_229 : memref<128x64xf32, #tpu.memory_space<vmem>>) offsets(%dma_start3A_232 : memref<128xi32, #tpu.memory_space<vmem>>) semaphore(%dma_start3A_237 : memref<!tpu.dma_semaphore, #tpu.memory_space<semaphore_mem>>)
    } else {
    }
    %not3A_56 = arith.constant true
    %not3A_57 = arith.xori %eq3A_52, %not3A_56 : i1
    %convert_element_type3A_58 = arith.extui %not3A_57 : i1 to i32
    %cond3A_59 = arith.constant 0 : i32
    %cond3A_60 = arith.cmpi ne, %convert_element_type3A_58, %cond3A_59 : i32
    scf.if %cond3A_60 {
      %dma_start3A = arith.constant 3 : i32
      %dma_start3A_225 = arith.constant 3 : i32
      %dma_start3A_226 = arith.constant 0 : i32
      %dma_start3A_227 = arith.constant 0 : i32
      %dma_start3A_228 = tpu.memref_slice %arg8[%dma_start3A, %dma_start3A_226, %dma_start3A_227] : memref<8x128x64xf32, #tpu.memory_space<vmem>> -> memref<1x72x64xf32, #tpu.memory_space<vmem>>
      %dma_start3A_229 = tpu.memref_squeeze %dma_start3A_228 : memref<1x72x64xf32, #tpu.memory_space<vmem>> -> memref<72x64xf32, #tpu.memory_space<vmem>>
      %dma_start3A_230 = arith.constant 0 : i32
      %dma_start3A_231 = tpu.memref_slice %arg7[%div3A_47, %dma_start3A_230] : memref<128x72xi32, #tpu.memory_space<vmem>> -> memref<1x72xi32, #tpu.memory_space<vmem>>
      %dma_start3A_232 = tpu.memref_squeeze %dma_start3A_231 : memref<1x72xi32, #tpu.memory_space<vmem>> -> memref<72xi32, #tpu.memory_space<vmem>>
      %dma_start3A_233 = arith.constant 0 : i32
      %dma_start3A_234 = arith.constant 0 : i32
      %dma_start3A_235 = tpu.memref_slice %arg2[%dma_start3A_233, %dma_start3A_234] : memref<1000000x64xf32, #tpu.memory_space<hbm>> -> memref<1000000x64xf32, #tpu.memory_space<hbm>>
      %dma_start3A_236 = tpu.memref_slice %arg9[%dma_start3A_225] : memref<8x!tpu.dma_semaphore, #tpu.memory_space<semaphore_mem>> -> memref<1x!tpu.dma_semaphore, #tpu.memory_space<semaphore_mem>>
      %dma_start3A_237 = tpu.memref_squeeze %dma_start3A_236 : memref<1x!tpu.dma_semaphore, #tpu.memory_space<semaphore_mem>> -> memref<!tpu.dma_semaphore, #tpu.memory_space<semaphore_mem>>
      tpu.enqueue_indirect_dma source(%dma_start3A_235 : memref<1000000x64xf32, #tpu.memory_space<hbm>>) target(%dma_start3A_229 : memref<72x64xf32, #tpu.memory_space<vmem>>) offsets(%dma_start3A_232 : memref<72xi32, #tpu.memory_space<vmem>>) semaphore(%dma_start3A_237 : memref<!tpu.dma_semaphore, #tpu.memory_space<semaphore_mem>>)
    } else {
    }
    %div3A_61 = arith.constant 4 : i32
    %div3A_62 = arith.constant 2 : i32
    %div3A_63 = arith.divsi %div3A_61, %div3A_62 : i32
    %rem3A_64 = arith.constant 4 : i32
    %rem3A_65 = arith.constant 2 : i32
    %rem3A_66 = arith.remsi %rem3A_64, %rem3A_65 : i32
    %eq3A_67 = arith.constant 0 : i32
    %eq3A_68 = arith.cmpi eq, %rem3A_66, %eq3A_67 : i32
    %convert_element_type3A_69 = arith.extui %eq3A_68 : i1 to i32
    %cond3A_70 = arith.constant 0 : i32
    %cond3A_71 = arith.cmpi ne, %convert_element_type3A_69, %cond3A_70 : i32
    scf.if %cond3A_71 {
      %dma_start3A = arith.constant 4 : i32
      %dma_start3A_225 = arith.constant 4 : i32
      %dma_start3A_226 = arith.constant 0 : i32
      %dma_start3A_227 = arith.constant 0 : i32
      %dma_start3A_228 = tpu.memref_slice %arg8[%dma_start3A, %dma_start3A_226, %dma_start3A_227] : memref<8x128x64xf32, #tpu.memory_space<vmem>> -> memref<1x128x64xf32, #tpu.memory_space<vmem>>
      %dma_start3A_229 = tpu.memref_squeeze %dma_start3A_228 : memref<1x128x64xf32, #tpu.memory_space<vmem>> -> memref<128x64xf32, #tpu.memory_space<vmem>>
      %dma_start3A_230 = arith.constant 0 : i32
      %dma_start3A_231 = tpu.memref_slice %arg6[%div3A_63, %dma_start3A_230] : memref<128x128xi32, #tpu.memory_space<vmem>> -> memref<1x128xi32, #tpu.memory_space<vmem>>
      %dma_start3A_232 = tpu.memref_squeeze %dma_start3A_231 : memref<1x128xi32, #tpu.memory_space<vmem>> -> memref<128xi32, #tpu.memory_space<vmem>>
      %dma_start3A_233 = arith.constant 0 : i32
      %dma_start3A_234 = arith.constant 0 : i32
      %dma_start3A_235 = tpu.memref_slice %arg2[%dma_start3A_233, %dma_start3A_234] : memref<1000000x64xf32, #tpu.memory_space<hbm>> -> memref<1000000x64xf32, #tpu.memory_space<hbm>>
      %dma_start3A_236 = tpu.memref_slice %arg9[%dma_start3A_225] : memref<8x!tpu.dma_semaphore, #tpu.memory_space<semaphore_mem>> -> memref<1x!tpu.dma_semaphore, #tpu.memory_space<semaphore_mem>>
      %dma_start3A_237 = tpu.memref_squeeze %dma_start3A_236 : memref<1x!tpu.dma_semaphore, #tpu.memory_space<semaphore_mem>> -> memref<!tpu.dma_semaphore, #tpu.memory_space<semaphore_mem>>
      tpu.enqueue_indirect_dma source(%dma_start3A_235 : memref<1000000x64xf32, #tpu.memory_space<hbm>>) target(%dma_start3A_229 : memref<128x64xf32, #tpu.memory_space<vmem>>) offsets(%dma_start3A_232 : memref<128xi32, #tpu.memory_space<vmem>>) semaphore(%dma_start3A_237 : memref<!tpu.dma_semaphore, #tpu.memory_space<semaphore_mem>>)
    } else {
    }
    %not3A_72 = arith.constant true
    %not3A_73 = arith.xori %eq3A_68, %not3A_72 : i1
    %convert_element_type3A_74 = arith.extui %not3A_73 : i1 to i32
    %cond3A_75 = arith.constant 0 : i32
    %cond3A_76 = arith.cmpi ne, %convert_element_type3A_74, %cond3A_75 : i32
    scf.if %cond3A_76 {
      %dma_start3A = arith.constant 4 : i32
      %dma_start3A_225 = arith.constant 4 : i32
      %dma_start3A_226 = arith.constant 0 : i32
      %dma_start3A_227 = arith.constant 0 : i32
      %dma_start3A_228 = tpu.memref_slice %arg8[%dma_start3A, %dma_start3A_226, %dma_start3A_227] : memref<8x128x64xf32, #tpu.memory_space<vmem>> -> memref<1x72x64xf32, #tpu.memory_space<vmem>>
      %dma_start3A_229 = tpu.memref_squeeze %dma_start3A_228 : memref<1x72x64xf32, #tpu.memory_space<vmem>> -> memref<72x64xf32, #tpu.memory_space<vmem>>
      %dma_start3A_230 = arith.constant 0 : i32
      %dma_start3A_231 = tpu.memref_slice %arg7[%div3A_63, %dma_start3A_230] : memref<128x72xi32, #tpu.memory_space<vmem>> -> memref<1x72xi32, #tpu.memory_space<vmem>>
      %dma_start3A_232 = tpu.memref_squeeze %dma_start3A_231 : memref<1x72xi32, #tpu.memory_space<vmem>> -> memref<72xi32, #tpu.memory_space<vmem>>
      %dma_start3A_233 = arith.constant 0 : i32
      %dma_start3A_234 = arith.constant 0 : i32
      %dma_start3A_235 = tpu.memref_slice %arg2[%dma_start3A_233, %dma_start3A_234] : memref<1000000x64xf32, #tpu.memory_space<hbm>> -> memref<1000000x64xf32, #tpu.memory_space<hbm>>
      %dma_start3A_236 = tpu.memref_slice %arg9[%dma_start3A_225] : memref<8x!tpu.dma_semaphore, #tpu.memory_space<semaphore_mem>> -> memref<1x!tpu.dma_semaphore, #tpu.memory_space<semaphore_mem>>
      %dma_start3A_237 = tpu.memref_squeeze %dma_start3A_236 : memref<1x!tpu.dma_semaphore, #tpu.memory_space<semaphore_mem>> -> memref<!tpu.dma_semaphore, #tpu.memory_space<semaphore_mem>>
      tpu.enqueue_indirect_dma source(%dma_start3A_235 : memref<1000000x64xf32, #tpu.memory_space<hbm>>) target(%dma_start3A_229 : memref<72x64xf32, #tpu.memory_space<vmem>>) offsets(%dma_start3A_232 : memref<72xi32, #tpu.memory_space<vmem>>) semaphore(%dma_start3A_237 : memref<!tpu.dma_semaphore, #tpu.memory_space<semaphore_mem>>)
    } else {
    }
    %div3A_77 = arith.constant 5 : i32
    %div3A_78 = arith.constant 2 : i32
    %div3A_79 = arith.divsi %div3A_77, %div3A_78 : i32
    %rem3A_80 = arith.constant 5 : i32
    %rem3A_81 = arith.constant 2 : i32
    %rem3A_82 = arith.remsi %rem3A_80, %rem3A_81 : i32
    %eq3A_83 = arith.constant 0 : i32
    %eq3A_84 = arith.cmpi eq, %rem3A_82, %eq3A_83 : i32
    %convert_element_type3A_85 = arith.extui %eq3A_84 : i1 to i32
    %cond3A_86 = arith.constant 0 : i32
    %cond3A_87 = arith.cmpi ne, %convert_element_type3A_85, %cond3A_86 : i32
    scf.if %cond3A_87 {
      %dma_start3A = arith.constant 5 : i32
      %dma_start3A_225 = arith.constant 5 : i32
      %dma_start3A_226 = arith.constant 0 : i32
      %dma_start3A_227 = arith.constant 0 : i32
      %dma_start3A_228 = tpu.memref_slice %arg8[%dma_start3A, %dma_start3A_226, %dma_start3A_227] : memref<8x128x64xf32, #tpu.memory_space<vmem>> -> memref<1x128x64xf32, #tpu.memory_space<vmem>>
      %dma_start3A_229 = tpu.memref_squeeze %dma_start3A_228 : memref<1x128x64xf32, #tpu.memory_space<vmem>> -> memref<128x64xf32, #tpu.memory_space<vmem>>
      %dma_start3A_230 = arith.constant 0 : i32
      %dma_start3A_231 = tpu.memref_slice %arg6[%div3A_79, %dma_start3A_230] : memref<128x128xi32, #tpu.memory_space<vmem>> -> memref<1x128xi32, #tpu.memory_space<vmem>>
      %dma_start3A_232 = tpu.memref_squeeze %dma_start3A_231 : memref<1x128xi32, #tpu.memory_space<vmem>> -> memref<128xi32, #tpu.memory_space<vmem>>
      %dma_start3A_233 = arith.constant 0 : i32
      %dma_start3A_234 = arith.constant 0 : i32
      %dma_start3A_235 = tpu.memref_slice %arg2[%dma_start3A_233, %dma_start3A_234] : memref<1000000x64xf32, #tpu.memory_space<hbm>> -> memref<1000000x64xf32, #tpu.memory_space<hbm>>
      %dma_start3A_236 = tpu.memref_slice %arg9[%dma_start3A_225] : memref<8x!tpu.dma_semaphore, #tpu.memory_space<semaphore_mem>> -> memref<1x!tpu.dma_semaphore, #tpu.memory_space<semaphore_mem>>
      %dma_start3A_237 = tpu.memref_squeeze %dma_start3A_236 : memref<1x!tpu.dma_semaphore, #tpu.memory_space<semaphore_mem>> -> memref<!tpu.dma_semaphore, #tpu.memory_space<semaphore_mem>>
      tpu.enqueue_indirect_dma source(%dma_start3A_235 : memref<1000000x64xf32, #tpu.memory_space<hbm>>) target(%dma_start3A_229 : memref<128x64xf32, #tpu.memory_space<vmem>>) offsets(%dma_start3A_232 : memref<128xi32, #tpu.memory_space<vmem>>) semaphore(%dma_start3A_237 : memref<!tpu.dma_semaphore, #tpu.memory_space<semaphore_mem>>)
    } else {
    }
    %not3A_88 = arith.constant true
    %not3A_89 = arith.xori %eq3A_84, %not3A_88 : i1
    %convert_element_type3A_90 = arith.extui %not3A_89 : i1 to i32
    %cond3A_91 = arith.constant 0 : i32
    %cond3A_92 = arith.cmpi ne, %convert_element_type3A_90, %cond3A_91 : i32
    scf.if %cond3A_92 {
      %dma_start3A = arith.constant 5 : i32
      %dma_start3A_225 = arith.constant 5 : i32
      %dma_start3A_226 = arith.constant 0 : i32
      %dma_start3A_227 = arith.constant 0 : i32
      %dma_start3A_228 = tpu.memref_slice %arg8[%dma_start3A, %dma_start3A_226, %dma_start3A_227] : memref<8x128x64xf32, #tpu.memory_space<vmem>> -> memref<1x72x64xf32, #tpu.memory_space<vmem>>
      %dma_start3A_229 = tpu.memref_squeeze %dma_start3A_228 : memref<1x72x64xf32, #tpu.memory_space<vmem>> -> memref<72x64xf32, #tpu.memory_space<vmem>>
      %dma_start3A_230 = arith.constant 0 : i32
      %dma_start3A_231 = tpu.memref_slice %arg7[%div3A_79, %dma_start3A_230] : memref<128x72xi32, #tpu.memory_space<vmem>> -> memref<1x72xi32, #tpu.memory_space<vmem>>
      %dma_start3A_232 = tpu.memref_squeeze %dma_start3A_231 : memref<1x72xi32, #tpu.memory_space<vmem>> -> memref<72xi32, #tpu.memory_space<vmem>>
      %dma_start3A_233 = arith.constant 0 : i32
      %dma_start3A_234 = arith.constant 0 : i32
      %dma_start3A_235 = tpu.memref_slice %arg2[%dma_start3A_233, %dma_start3A_234] : memref<1000000x64xf32, #tpu.memory_space<hbm>> -> memref<1000000x64xf32, #tpu.memory_space<hbm>>
      %dma_start3A_236 = tpu.memref_slice %arg9[%dma_start3A_225] : memref<8x!tpu.dma_semaphore, #tpu.memory_space<semaphore_mem>> -> memref<1x!tpu.dma_semaphore, #tpu.memory_space<semaphore_mem>>
      %dma_start3A_237 = tpu.memref_squeeze %dma_start3A_236 : memref<1x!tpu.dma_semaphore, #tpu.memory_space<semaphore_mem>> -> memref<!tpu.dma_semaphore, #tpu.memory_space<semaphore_mem>>
      tpu.enqueue_indirect_dma source(%dma_start3A_235 : memref<1000000x64xf32, #tpu.memory_space<hbm>>) target(%dma_start3A_229 : memref<72x64xf32, #tpu.memory_space<vmem>>) offsets(%dma_start3A_232 : memref<72xi32, #tpu.memory_space<vmem>>) semaphore(%dma_start3A_237 : memref<!tpu.dma_semaphore, #tpu.memory_space<semaphore_mem>>)
    } else {
    }
    %scan3A = arith.constant 0 : i32
    %scan3A_93 = arith.constant 256 : i32
    %scan3A_94 = arith.addi %scan3A, %scan3A_93 : i32
    %scan3A_95 = arith.constant 1 : i32
    scf.for %scan3A_225 = %scan3A to %scan3A_94 step %scan3A_95  : i32 {
      %add3A_226 = arith.constant 6 : i32
      %add3A_227 = arith.addi %scan3A_225, %add3A_226 : i32
      %rem3A_228 = arith.constant 8 : i32
      %rem3A_229 = arith.remsi %add3A_227, %rem3A_228 : i32
      %lt3A = arith.constant 256 : i32
      %lt3A_230 = arith.cmpi slt, %add3A_227, %lt3A : i32
      %convert_element_type3A_231 = arith.extui %lt3A_230 : i1 to i32
      %cond3A_232 = arith.constant 0 : i32
      %cond3A_233 = arith.cmpi ne, %convert_element_type3A_231, %cond3A_232 : i32
      scf.if %cond3A_233 {
        %ge3A = arith.constant 2 : i32
        %ge3A_264 = arith.cmpi sge, %scan3A_225, %ge3A : i32
        %convert_element_type3A_265 = arith.extui %ge3A_264 : i1 to i32
        %cond3A_266 = arith.constant 0 : i32
        %cond3A_267 = arith.cmpi ne, %convert_element_type3A_265, %cond3A_266 : i32
        scf.if %cond3A_267 {
          %sub3A = arith.constant 2 : i32
          %sub3A_282 = arith.subi %scan3A_225, %sub3A : i32
          %div3A_283 = arith.constant 2 : i32
          %div3A_284 = arith.divsi %sub3A_282, %div3A_283 : i32
          %rem3A_285 = arith.constant 2 : i32
          %rem3A_286 = arith.remsi %sub3A_282, %rem3A_285 : i32
          %eq3A_287 = arith.constant 0 : i32
          %eq3A_288 = arith.cmpi eq, %rem3A_286, %eq3A_287 : i32
          %convert_element_type3A_289 = arith.extui %eq3A_288 : i1 to i32
          %cond3A_290 = arith.constant 0 : i32
          %cond3A_291 = arith.cmpi ne, %convert_element_type3A_289, %cond3A_290 : i32
          scf.if %cond3A_291 {
            %add3A_297 = arith.addi %mul3A_2, %div3A_284 : i32
            %dma_wait3A = arith.constant 0 : i32
            %dma_wait3A_298 = arith.constant 0 : i32
            %dma_wait3A_299 = tpu.memref_slice %arg8[%rem3A_229, %dma_wait3A, %dma_wait3A_298] : memref<8x128x64xf32, #tpu.memory_space<vmem>> -> memref<1x128x64xf32, #tpu.memory_space<vmem>>
            %dma_wait3A_300 = tpu.memref_squeeze %dma_wait3A_299 : memref<1x128x64xf32, #tpu.memory_space<vmem>> -> memref<128x64xf32, #tpu.memory_space<vmem>>
            %dma_wait3A_301 = arith.constant 0 : i32
            %dma_wait3A_302 = arith.constant 0 : i32
            %dma_wait3A_303 = tpu.memref_slice %arg5[%add3A_297, %dma_wait3A_301, %dma_wait3A_302] : memref<4096x200x128xf32, #tpu.memory_space<hbm>> -> memref<1x128x64xf32, #tpu.memory_space<hbm>>
            %dma_wait3A_304 = tpu.memref_squeeze %dma_wait3A_303 : memref<1x128x64xf32, #tpu.memory_space<hbm>> -> memref<128x64xf32, #tpu.memory_space<hbm>>
            %dma_wait3A_305 = tpu.memref_slice %arg10[%rem3A_229] : memref<8x!tpu.dma_semaphore, #tpu.memory_space<semaphore_mem>> -> memref<1x!tpu.dma_semaphore, #tpu.memory_space<semaphore_mem>>
            %dma_wait3A_306 = tpu.memref_squeeze %dma_wait3A_305 : memref<1x!tpu.dma_semaphore, #tpu.memory_space<semaphore_mem>> -> memref<!tpu.dma_semaphore, #tpu.memory_space<semaphore_mem>>
            %dma_wait3A_307 = arith.constant 0 : i32
            %dma_wait3A_308 = arith.constant 0 : i32
            %dma_wait3A_309 = tpu.memref_slice %arg5[%add3A_297, %dma_wait3A_307, %dma_wait3A_308] : memref<4096x200x128xf32, #tpu.memory_space<hbm>> -> memref<1x128x64xf32, #tpu.memory_space<hbm>>
            %dma_wait3A_310 = tpu.memref_squeeze %dma_wait3A_309 : memref<1x128x64xf32, #tpu.memory_space<hbm>> -> memref<128x64xf32, #tpu.memory_space<hbm>>
            %dma_wait3A_311 = arith.constant 0 : i32
            %dma_wait3A_312 = arith.constant 0 : i32
            %dma_wait3A_313 = tpu.memref_slice %arg8[%rem3A_229, %dma_wait3A_311, %dma_wait3A_312] : memref<8x128x64xf32, #tpu.memory_space<vmem>> -> memref<1x128x64xf32, #tpu.memory_space<vmem>>
            %dma_wait3A_314 = tpu.memref_squeeze %dma_wait3A_313 : memref<1x128x64xf32, #tpu.memory_space<vmem>> -> memref<128x64xf32, #tpu.memory_space<vmem>>
            tpu.wait_dma2 semaphore(%dma_wait3A_306 : memref<!tpu.dma_semaphore, #tpu.memory_space<semaphore_mem>>) src(%dma_wait3A_314 : memref<128x64xf32, #tpu.memory_space<vmem>>) dst(%dma_wait3A_310 : memref<128x64xf32, #tpu.memory_space<hbm>>)
          } else {
          }
          %not3A_292 = arith.constant true
          %not3A_293 = arith.xori %eq3A_288, %not3A_292 : i1
          %convert_element_type3A_294 = arith.extui %not3A_293 : i1 to i32
          %cond3A_295 = arith.constant 0 : i32
          %cond3A_296 = arith.cmpi ne, %convert_element_type3A_294, %cond3A_295 : i32
          scf.if %cond3A_296 {
            %add3A_297 = arith.addi %mul3A_2, %div3A_284 : i32
            %dma_wait3A = arith.constant 0 : i32
            %dma_wait3A_298 = arith.constant 0 : i32
            %dma_wait3A_299 = tpu.memref_slice %arg8[%rem3A_229, %dma_wait3A, %dma_wait3A_298] : memref<8x128x64xf32, #tpu.memory_space<vmem>> -> memref<1x72x64xf32, #tpu.memory_space<vmem>>
            %dma_wait3A_300 = tpu.memref_squeeze %dma_wait3A_299 : memref<1x72x64xf32, #tpu.memory_space<vmem>> -> memref<72x64xf32, #tpu.memory_space<vmem>>
            %dma_wait3A_301 = arith.constant 128 : i32
            %dma_wait3A_302 = arith.constant 0 : i32
            %dma_wait3A_303 = tpu.memref_slice %arg5[%add3A_297, %dma_wait3A_301, %dma_wait3A_302] : memref<4096x200x128xf32, #tpu.memory_space<hbm>> -> memref<1x72x64xf32, #tpu.memory_space<hbm>>
            %dma_wait3A_304 = tpu.memref_squeeze %dma_wait3A_303 : memref<1x72x64xf32, #tpu.memory_space<hbm>> -> memref<72x64xf32, #tpu.memory_space<hbm>>
            %dma_wait3A_305 = tpu.memref_slice %arg10[%rem3A_229] : memref<8x!tpu.dma_semaphore, #tpu.memory_space<semaphore_mem>> -> memref<1x!tpu.dma_semaphore, #tpu.memory_space<semaphore_mem>>
            %dma_wait3A_306 = tpu.memref_squeeze %dma_wait3A_305 : memref<1x!tpu.dma_semaphore, #tpu.memory_space<semaphore_mem>> -> memref<!tpu.dma_semaphore, #tpu.memory_space<semaphore_mem>>
            %dma_wait3A_307 = arith.constant 128 : i32
            %dma_wait3A_308 = arith.constant 0 : i32
            %dma_wait3A_309 = tpu.memref_slice %arg5[%add3A_297, %dma_wait3A_307, %dma_wait3A_308] : memref<4096x200x128xf32, #tpu.memory_space<hbm>> -> memref<1x72x64xf32, #tpu.memory_space<hbm>>
            %dma_wait3A_310 = tpu.memref_squeeze %dma_wait3A_309 : memref<1x72x64xf32, #tpu.memory_space<hbm>> -> memref<72x64xf32, #tpu.memory_space<hbm>>
            %dma_wait3A_311 = arith.constant 0 : i32
            %dma_wait3A_312 = arith.constant 0 : i32
            %dma_wait3A_313 = tpu.memref_slice %arg8[%rem3A_229, %dma_wait3A_311, %dma_wait3A_312] : memref<8x128x64xf32, #tpu.memory_space<vmem>> -> memref<1x72x64xf32, #tpu.memory_space<vmem>>
            %dma_wait3A_314 = tpu.memref_squeeze %dma_wait3A_313 : memref<1x72x64xf32, #tpu.memory_space<vmem>> -> memref<72x64xf32, #tpu.memory_space<vmem>>
            tpu.wait_dma2 semaphore(%dma_wait3A_306 : memref<!tpu.dma_semaphore, #tpu.memory_space<semaphore_mem>>) src(%dma_wait3A_314 : memref<72x64xf32, #tpu.memory_space<vmem>>) dst(%dma_wait3A_310 : memref<72x64xf32, #tpu.memory_space<hbm>>)
          } else {
          }
        } else {
        }
        %div3A_268 = arith.constant 2 : i32
        %div3A_269 = arith.divsi %add3A_227, %div3A_268 : i32
        %rem3A_270 = arith.constant 2 : i32
        %rem3A_271 = arith.remsi %add3A_227, %rem3A_270 : i32
        %eq3A_272 = arith.constant 0 : i32
        %eq3A_273 = arith.cmpi eq, %rem3A_271, %eq3A_272 : i32
        %convert_element_type3A_274 = arith.extui %eq3A_273 : i1 to i32
        %cond3A_275 = arith.constant 0 : i32
        %cond3A_276 = arith.cmpi ne, %convert_element_type3A_274, %cond3A_275 : i32
        scf.if %cond3A_276 {
          %dma_start3A = arith.constant 0 : i32
          %dma_start3A_282 = arith.constant 0 : i32
          %dma_start3A_283 = tpu.memref_slice %arg8[%rem3A_229, %dma_start3A, %dma_start3A_282] : memref<8x128x64xf32, #tpu.memory_space<vmem>> -> memref<1x128x64xf32, #tpu.memory_space<vmem>>
          %dma_start3A_284 = tpu.memref_squeeze %dma_start3A_283 : memref<1x128x64xf32, #tpu.memory_space<vmem>> -> memref<128x64xf32, #tpu.memory_space<vmem>>
          %dma_start3A_285 = arith.constant 0 : i32
          %dma_start3A_286 = tpu.memref_slice %arg6[%div3A_269, %dma_start3A_285] : memref<128x128xi32, #tpu.memory_space<vmem>> -> memref<1x128xi32, #tpu.memory_space<vmem>>
          %dma_start3A_287 = tpu.memref_squeeze %dma_start3A_286 : memref<1x128xi32, #tpu.memory_space<vmem>> -> memref<128xi32, #tpu.memory_space<vmem>>
          %dma_start3A_288 = arith.constant 0 : i32
          %dma_start3A_289 = arith.constant 0 : i32
          %dma_start3A_290 = tpu.memref_slice %arg2[%dma_start3A_288, %dma_start3A_289] : memref<1000000x64xf32, #tpu.memory_space<hbm>> -> memref<1000000x64xf32, #tpu.memory_space<hbm>>
          %dma_start3A_291 = tpu.memref_slice %arg9[%rem3A_229] : memref<8x!tpu.dma_semaphore, #tpu.memory_space<semaphore_mem>> -> memref<1x!tpu.dma_semaphore, #tpu.memory_space<semaphore_mem>>
          %dma_start3A_292 = tpu.memref_squeeze %dma_start3A_291 : memref<1x!tpu.dma_semaphore, #tpu.memory_space<semaphore_mem>> -> memref<!tpu.dma_semaphore, #tpu.memory_space<semaphore_mem>>
          tpu.enqueue_indirect_dma source(%dma_start3A_290 : memref<1000000x64xf32, #tpu.memory_space<hbm>>) target(%dma_start3A_284 : memref<128x64xf32, #tpu.memory_space<vmem>>) offsets(%dma_start3A_287 : memref<128xi32, #tpu.memory_space<vmem>>) semaphore(%dma_start3A_292 : memref<!tpu.dma_semaphore, #tpu.memory_space<semaphore_mem>>)
        } else {
        }
        %not3A_277 = arith.constant true
        %not3A_278 = arith.xori %eq3A_273, %not3A_277 : i1
        %convert_element_type3A_279 = arith.extui %not3A_278 : i1 to i32
        %cond3A_280 = arith.constant 0 : i32
        %cond3A_281 = arith.cmpi ne, %convert_element_type3A_279, %cond3A_280 : i32
        scf.if %cond3A_281 {
          %dma_start3A = arith.constant 0 : i32
          %dma_start3A_282 = arith.constant 0 : i32
          %dma_start3A_283 = tpu.memref_slice %arg8[%rem3A_229, %dma_start3A, %dma_start3A_282] : memref<8x128x64xf32, #tpu.memory_space<vmem>> -> memref<1x72x64xf32, #tpu.memory_space<vmem>>
          %dma_start3A_284 = tpu.memref_squeeze %dma_start3A_283 : memref<1x72x64xf32, #tpu.memory_space<vmem>> -> memref<72x64xf32, #tpu.memory_space<vmem>>
          %dma_start3A_285 = arith.constant 0 : i32
          %dma_start3A_286 = tpu.memref_slice %arg7[%div3A_269, %dma_start3A_285] : memref<128x72xi32, #tpu.memory_space<vmem>> -> memref<1x72xi32, #tpu.memory_space<vmem>>
          %dma_start3A_287 = tpu.memref_squeeze %dma_start3A_286 : memref<1x72xi32, #tpu.memory_space<vmem>> -> memref<72xi32, #tpu.memory_space<vmem>>
          %dma_start3A_288 = arith.constant 0 : i32
          %dma_start3A_289 = arith.constant 0 : i32
          %dma_start3A_290 = tpu.memref_slice %arg2[%dma_start3A_288, %dma_start3A_289] : memref<1000000x64xf32, #tpu.memory_space<hbm>> -> memref<1000000x64xf32, #tpu.memory_space<hbm>>
          %dma_start3A_291 = tpu.memref_slice %arg9[%rem3A_229] : memref<8x!tpu.dma_semaphore, #tpu.memory_space<semaphore_mem>> -> memref<1x!tpu.dma_semaphore, #tpu.memory_space<semaphore_mem>>
          %dma_start3A_292 = tpu.memref_squeeze %dma_start3A_291 : memref<1x!tpu.dma_semaphore, #tpu.memory_space<semaphore_mem>> -> memref<!tpu.dma_semaphore, #tpu.memory_space<semaphore_mem>>
          tpu.enqueue_indirect_dma source(%dma_start3A_290 : memref<1000000x64xf32, #tpu.memory_space<hbm>>) target(%dma_start3A_284 : memref<72x64xf32, #tpu.memory_space<vmem>>) offsets(%dma_start3A_287 : memref<72xi32, #tpu.memory_space<vmem>>) semaphore(%dma_start3A_292 : memref<!tpu.dma_semaphore, #tpu.memory_space<semaphore_mem>>)
        } else {
        }
      } else {
      }
      %rem3A_234 = arith.constant 8 : i32
      %rem3A_235 = arith.remsi %scan3A_225, %rem3A_234 : i32
      %div3A_236 = arith.constant 2 : i32
      %div3A_237 = arith.divsi %scan3A_225, %div3A_236 : i32
      %rem3A_238 = arith.constant 2 : i32
      %rem3A_239 = arith.remsi %scan3A_225, %rem3A_238 : i32
      %eq3A_240 = arith.constant 0 : i32
      %eq3A_241 = arith.cmpi eq, %rem3A_239, %eq3A_240 : i32
      %convert_element_type3A_242 = arith.extui %eq3A_241 : i1 to i32
      %cond3A_243 = arith.constant 0 : i32
      %cond3A_244 = arith.cmpi ne, %convert_element_type3A_242, %cond3A_243 : i32
      scf.if %cond3A_244 {
        %dma_wait3A = arith.constant 0 : i32
        %dma_wait3A_264 = arith.constant 0 : i32
        %dma_wait3A_265 = tpu.memref_slice %arg8[%rem3A_235, %dma_wait3A, %dma_wait3A_264] : memref<8x128x64xf32, #tpu.memory_space<vmem>> -> memref<1x128x64xf32, #tpu.memory_space<vmem>>
        %dma_wait3A_266 = tpu.memref_squeeze %dma_wait3A_265 : memref<1x128x64xf32, #tpu.memory_space<vmem>> -> memref<128x64xf32, #tpu.memory_space<vmem>>
        %dma_wait3A_267 = arith.constant 0 : i32
        %dma_wait3A_268 = tpu.memref_slice %arg6[%div3A_237, %dma_wait3A_267] : memref<128x128xi32, #tpu.memory_space<vmem>> -> memref<1x128xi32, #tpu.memory_space<vmem>>
        %dma_wait3A_269 = tpu.memref_squeeze %dma_wait3A_268 : memref<1x128xi32, #tpu.memory_space<vmem>> -> memref<128xi32, #tpu.memory_space<vmem>>
        %dma_wait3A_270 = arith.constant 0 : i32
        %dma_wait3A_271 = arith.constant 0 : i32
        %dma_wait3A_272 = tpu.memref_slice %arg2[%dma_wait3A_270, %dma_wait3A_271] : memref<1000000x64xf32, #tpu.memory_space<hbm>> -> memref<1000000x64xf32, #tpu.memory_space<hbm>>
        %dma_wait3A_273 = tpu.memref_slice %arg9[%rem3A_235] : memref<8x!tpu.dma_semaphore, #tpu.memory_space<semaphore_mem>> -> memref<1x!tpu.dma_semaphore, #tpu.memory_space<semaphore_mem>>
        %dma_wait3A_274 = tpu.memref_squeeze %dma_wait3A_273 : memref<1x!tpu.dma_semaphore, #tpu.memory_space<semaphore_mem>> -> memref<!tpu.dma_semaphore, #tpu.memory_space<semaphore_mem>>
        tpu.wait_indirect_dma semaphore(%dma_wait3A_274 : memref<!tpu.dma_semaphore, #tpu.memory_space<semaphore_mem>>) src(%dma_wait3A_272 : memref<1000000x64xf32, #tpu.memory_space<hbm>>) dst(%dma_wait3A_266 : memref<128x64xf32, #tpu.memory_space<vmem>>)
      } else {
      }
      %not3A_245 = arith.constant true
      %not3A_246 = arith.xori %eq3A_241, %not3A_245 : i1
      %convert_element_type3A_247 = arith.extui %not3A_246 : i1 to i32
      %cond3A_248 = arith.constant 0 : i32
      %cond3A_249 = arith.cmpi ne, %convert_element_type3A_247, %cond3A_248 : i32
      scf.if %cond3A_249 {
        %dma_wait3A = arith.constant 0 : i32
        %dma_wait3A_264 = arith.constant 0 : i32
        %dma_wait3A_265 = tpu.memref_slice %arg8[%rem3A_235, %dma_wait3A, %dma_wait3A_264] : memref<8x128x64xf32, #tpu.memory_space<vmem>> -> memref<1x72x64xf32, #tpu.memory_space<vmem>>
        %dma_wait3A_266 = tpu.memref_squeeze %dma_wait3A_265 : memref<1x72x64xf32, #tpu.memory_space<vmem>> -> memref<72x64xf32, #tpu.memory_space<vmem>>
        %dma_wait3A_267 = arith.constant 0 : i32
        %dma_wait3A_268 = tpu.memref_slice %arg7[%div3A_237, %dma_wait3A_267] : memref<128x72xi32, #tpu.memory_space<vmem>> -> memref<1x72xi32, #tpu.memory_space<vmem>>
        %dma_wait3A_269 = tpu.memref_squeeze %dma_wait3A_268 : memref<1x72xi32, #tpu.memory_space<vmem>> -> memref<72xi32, #tpu.memory_space<vmem>>
        %dma_wait3A_270 = arith.constant 0 : i32
        %dma_wait3A_271 = arith.constant 0 : i32
        %dma_wait3A_272 = tpu.memref_slice %arg2[%dma_wait3A_270, %dma_wait3A_271] : memref<1000000x64xf32, #tpu.memory_space<hbm>> -> memref<1000000x64xf32, #tpu.memory_space<hbm>>
        %dma_wait3A_273 = tpu.memref_slice %arg9[%rem3A_235] : memref<8x!tpu.dma_semaphore, #tpu.memory_space<semaphore_mem>> -> memref<1x!tpu.dma_semaphore, #tpu.memory_space<semaphore_mem>>
        %dma_wait3A_274 = tpu.memref_squeeze %dma_wait3A_273 : memref<1x!tpu.dma_semaphore, #tpu.memory_space<semaphore_mem>> -> memref<!tpu.dma_semaphore, #tpu.memory_space<semaphore_mem>>
        tpu.wait_indirect_dma semaphore(%dma_wait3A_274 : memref<!tpu.dma_semaphore, #tpu.memory_space<semaphore_mem>>) src(%dma_wait3A_272 : memref<1000000x64xf32, #tpu.memory_space<hbm>>) dst(%dma_wait3A_266 : memref<72x64xf32, #tpu.memory_space<vmem>>)
      } else {
      }
      %div3A_250 = arith.constant 2 : i32
      %div3A_251 = arith.divsi %scan3A_225, %div3A_250 : i32
      %rem3A_252 = arith.constant 2 : i32
      %rem3A_253 = arith.remsi %scan3A_225, %rem3A_252 : i32
      %eq3A_254 = arith.constant 0 : i32
      %eq3A_255 = arith.cmpi eq, %rem3A_253, %eq3A_254 : i32
      %convert_element_type3A_256 = arith.extui %eq3A_255 : i1 to i32
      %cond3A_257 = arith.constant 0 : i32
      %cond3A_258 = arith.cmpi ne, %convert_element_type3A_256, %cond3A_257 : i32
      scf.if %cond3A_258 {
        %add3A_264 = arith.addi %mul3A_2, %div3A_251 : i32
        %dma_start3A = arith.constant 0 : i32
        %dma_start3A_265 = arith.constant 0 : i32
        %dma_start3A_266 = tpu.memref_slice %arg8[%rem3A_235, %dma_start3A, %dma_start3A_265] : memref<8x128x64xf32, #tpu.memory_space<vmem>> -> memref<1x128x64xf32, #tpu.memory_space<vmem>>
        %dma_start3A_267 = tpu.memref_squeeze %dma_start3A_266 : memref<1x128x64xf32, #tpu.memory_space<vmem>> -> memref<128x64xf32, #tpu.memory_space<vmem>>
        %dma_start3A_268 = arith.constant 0 : i32
        %dma_start3A_269 = arith.constant 0 : i32
        %dma_start3A_270 = tpu.memref_slice %arg5[%add3A_264, %dma_start3A_268, %dma_start3A_269] : memref<4096x200x128xf32, #tpu.memory_space<hbm>> -> memref<1x128x64xf32, #tpu.memory_space<hbm>>
        %dma_start3A_271 = tpu.memref_squeeze %dma_start3A_270 : memref<1x128x64xf32, #tpu.memory_space<hbm>> -> memref<128x64xf32, #tpu.memory_space<hbm>>
        %dma_start3A_272 = tpu.memref_slice %arg10[%rem3A_235] : memref<8x!tpu.dma_semaphore, #tpu.memory_space<semaphore_mem>> -> memref<1x!tpu.dma_semaphore, #tpu.memory_space<semaphore_mem>>
        %dma_start3A_273 = tpu.memref_squeeze %dma_start3A_272 : memref<1x!tpu.dma_semaphore, #tpu.memory_space<semaphore_mem>> -> memref<!tpu.dma_semaphore, #tpu.memory_space<semaphore_mem>>
        %dma_start3A_274 = arith.constant 0 : i32
        %dma_start3A_275 = arith.constant 0 : i32
        %dma_start3A_276 = tpu.memref_slice %arg5[%add3A_264, %dma_start3A_274, %dma_start3A_275] : memref<4096x200x128xf32, #tpu.memory_space<hbm>> -> memref<1x128x64xf32, #tpu.memory_space<hbm>>
        %dma_start3A_277 = tpu.memref_squeeze %dma_start3A_276 : memref<1x128x64xf32, #tpu.memory_space<hbm>> -> memref<128x64xf32, #tpu.memory_space<hbm>>
        %dma_start3A_278 = arith.constant 0 : i32
        %dma_start3A_279 = arith.constant 0 : i32
        %dma_start3A_280 = tpu.memref_slice %arg8[%rem3A_235, %dma_start3A_278, %dma_start3A_279] : memref<8x128x64xf32, #tpu.memory_space<vmem>> -> memref<1x128x64xf32, #tpu.memory_space<vmem>>
        %dma_start3A_281 = tpu.memref_squeeze %dma_start3A_280 : memref<1x128x64xf32, #tpu.memory_space<vmem>> -> memref<128x64xf32, #tpu.memory_space<vmem>>
        tpu.enqueue_dma source(%dma_start3A_281 : memref<128x64xf32, #tpu.memory_space<vmem>>) target(%dma_start3A_277 : memref<128x64xf32, #tpu.memory_space<hbm>>) target_semaphore(%dma_start3A_273 : memref<!tpu.dma_semaphore, #tpu.memory_space<semaphore_mem>>)
      } else {
      }
      %not3A_259 = arith.constant true
      %not3A_260 = arith.xori %eq3A_255, %not3A_259 : i1
      %convert_element_type3A_261 = arith.extui %not3A_260 : i1 to i32
      %cond3A_262 = arith.constant 0 : i32
      %cond3A_263 = arith.cmpi ne, %convert_element_type3A_261, %cond3A_262 : i32
      scf.if %cond3A_263 {
        %add3A_264 = arith.addi %mul3A_2, %div3A_251 : i32
        %dma_start3A = arith.constant 0 : i32
        %dma_start3A_265 = arith.constant 0 : i32
        %dma_start3A_266 = tpu.memref_slice %arg8[%rem3A_235, %dma_start3A, %dma_start3A_265] : memref<8x128x64xf32, #tpu.memory_space<vmem>> -> memref<1x72x64xf32, #tpu.memory_space<vmem>>
        %dma_start3A_267 = tpu.memref_squeeze %dma_start3A_266 : memref<1x72x64xf32, #tpu.memory_space<vmem>> -> memref<72x64xf32, #tpu.memory_space<vmem>>
        %dma_start3A_268 = arith.constant 128 : i32
        %dma_start3A_269 = arith.constant 0 : i32
        %dma_start3A_270 = tpu.memref_slice %arg5[%add3A_264, %dma_start3A_268, %dma_start3A_269] : memref<4096x200x128xf32, #tpu.memory_space<hbm>> -> memref<1x72x64xf32, #tpu.memory_space<hbm>>
        %dma_start3A_271 = tpu.memref_squeeze %dma_start3A_270 : memref<1x72x64xf32, #tpu.memory_space<hbm>> -> memref<72x64xf32, #tpu.memory_space<hbm>>
        %dma_start3A_272 = tpu.memref_slice %arg10[%rem3A_235] : memref<8x!tpu.dma_semaphore, #tpu.memory_space<semaphore_mem>> -> memref<1x!tpu.dma_semaphore, #tpu.memory_space<semaphore_mem>>
        %dma_start3A_273 = tpu.memref_squeeze %dma_start3A_272 : memref<1x!tpu.dma_semaphore, #tpu.memory_space<semaphore_mem>> -> memref<!tpu.dma_semaphore, #tpu.memory_space<semaphore_mem>>
        %dma_start3A_274 = arith.constant 128 : i32
        %dma_start3A_275 = arith.constant 0 : i32
        %dma_start3A_276 = tpu.memref_slice %arg5[%add3A_264, %dma_start3A_274, %dma_start3A_275] : memref<4096x200x128xf32, #tpu.memory_space<hbm>> -> memref<1x72x64xf32, #tpu.memory_space<hbm>>
        %dma_start3A_277 = tpu.memref_squeeze %dma_start3A_276 : memref<1x72x64xf32, #tpu.memory_space<hbm>> -> memref<72x64xf32, #tpu.memory_space<hbm>>
        %dma_start3A_278 = arith.constant 0 : i32
        %dma_start3A_279 = arith.constant 0 : i32
        %dma_start3A_280 = tpu.memref_slice %arg8[%rem3A_235, %dma_start3A_278, %dma_start3A_279] : memref<8x128x64xf32, #tpu.memory_space<vmem>> -> memref<1x72x64xf32, #tpu.memory_space<vmem>>
        %dma_start3A_281 = tpu.memref_squeeze %dma_start3A_280 : memref<1x72x64xf32, #tpu.memory_space<vmem>> -> memref<72x64xf32, #tpu.memory_space<vmem>>
        tpu.enqueue_dma source(%dma_start3A_281 : memref<72x64xf32, #tpu.memory_space<vmem>>) target(%dma_start3A_277 : memref<72x64xf32, #tpu.memory_space<hbm>>) target_semaphore(%dma_start3A_273 : memref<!tpu.dma_semaphore, #tpu.memory_space<semaphore_mem>>)
      } else {
      }
    }
    %scan3A_96 = arith.constant 256 : i32
    %div3A_97 = arith.constant 248 : i32
    %div3A_98 = arith.constant 2 : i32
    %div3A_99 = arith.divsi %div3A_97, %div3A_98 : i32
    %rem3A_100 = arith.constant 248 : i32
    %rem3A_101 = arith.constant 2 : i32
    %rem3A_102 = arith.remsi %rem3A_100, %rem3A_101 : i32
    %eq3A_103 = arith.constant 0 : i32
    %eq3A_104 = arith.cmpi eq, %rem3A_102, %eq3A_103 : i32
    %convert_element_type3A_105 = arith.extui %eq3A_104 : i1 to i32
    %cond3A_106 = arith.constant 0 : i32
    %cond3A_107 = arith.cmpi ne, %convert_element_type3A_105, %cond3A_106 : i32
    scf.if %cond3A_107 {
      %add3A_225 = arith.addi %mul3A_2, %div3A_99 : i32
      %dma_wait3A = arith.constant 0 : i32
      %dma_wait3A_226 = arith.constant 0 : i32
      %dma_wait3A_227 = arith.constant 0 : i32
      %dma_wait3A_228 = arith.constant 0 : i32
      %dma_wait3A_229 = tpu.memref_slice %arg8[%dma_wait3A, %dma_wait3A_227, %dma_wait3A_228] : memref<8x128x64xf32, #tpu.memory_space<vmem>> -> memref<1x128x64xf32, #tpu.memory_space<vmem>>
      %dma_wait3A_230 = tpu.memref_squeeze %dma_wait3A_229 : memref<1x128x64xf32, #tpu.memory_space<vmem>> -> memref<128x64xf32, #tpu.memory_space<vmem>>
      %dma_wait3A_231 = arith.constant 0 : i32
      %dma_wait3A_232 = arith.constant 0 : i32
      %dma_wait3A_233 = tpu.memref_slice %arg5[%add3A_225, %dma_wait3A_231, %dma_wait3A_232] : memref<4096x200x128xf32, #tpu.memory_space<hbm>> -> memref<1x128x64xf32, #tpu.memory_space<hbm>>
      %dma_wait3A_234 = tpu.memref_squeeze %dma_wait3A_233 : memref<1x128x64xf32, #tpu.memory_space<hbm>> -> memref<128x64xf32, #tpu.memory_space<hbm>>
      %dma_wait3A_235 = tpu.memref_slice %arg10[%dma_wait3A_226] : memref<8x!tpu.dma_semaphore, #tpu.memory_space<semaphore_mem>> -> memref<1x!tpu.dma_semaphore, #tpu.memory_space<semaphore_mem>>
      %dma_wait3A_236 = tpu.memref_squeeze %dma_wait3A_235 : memref<1x!tpu.dma_semaphore, #tpu.memory_space<semaphore_mem>> -> memref<!tpu.dma_semaphore, #tpu.memory_space<semaphore_mem>>
      %dma_wait3A_237 = arith.constant 0 : i32
      %dma_wait3A_238 = arith.constant 0 : i32
      %dma_wait3A_239 = tpu.memref_slice %arg5[%add3A_225, %dma_wait3A_237, %dma_wait3A_238] : memref<4096x200x128xf32, #tpu.memory_space<hbm>> -> memref<1x128x64xf32, #tpu.memory_space<hbm>>
      %dma_wait3A_240 = tpu.memref_squeeze %dma_wait3A_239 : memref<1x128x64xf32, #tpu.memory_space<hbm>> -> memref<128x64xf32, #tpu.memory_space<hbm>>
      %dma_wait3A_241 = arith.constant 0 : i32
      %dma_wait3A_242 = arith.constant 0 : i32
      %dma_wait3A_243 = tpu.memref_slice %arg8[%dma_wait3A, %dma_wait3A_241, %dma_wait3A_242] : memref<8x128x64xf32, #tpu.memory_space<vmem>> -> memref<1x128x64xf32, #tpu.memory_space<vmem>>
      %dma_wait3A_244 = tpu.memref_squeeze %dma_wait3A_243 : memref<1x128x64xf32, #tpu.memory_space<vmem>> -> memref<128x64xf32, #tpu.memory_space<vmem>>
      tpu.wait_dma2 semaphore(%dma_wait3A_236 : memref<!tpu.dma_semaphore, #tpu.memory_space<semaphore_mem>>) src(%dma_wait3A_244 : memref<128x64xf32, #tpu.memory_space<vmem>>) dst(%dma_wait3A_240 : memref<128x64xf32, #tpu.memory_space<hbm>>)
    } else {
    }
    %not3A_108 = arith.constant true
    %not3A_109 = arith.xori %eq3A_104, %not3A_108 : i1
    %convert_element_type3A_110 = arith.extui %not3A_109 : i1 to i32
    %cond3A_111 = arith.constant 0 : i32
    %cond3A_112 = arith.cmpi ne, %convert_element_type3A_110, %cond3A_111 : i32
    scf.if %cond3A_112 {
      %add3A_225 = arith.addi %mul3A_2, %div3A_99 : i32
      %dma_wait3A = arith.constant 0 : i32
      %dma_wait3A_226 = arith.constant 0 : i32
      %dma_wait3A_227 = arith.constant 0 : i32
      %dma_wait3A_228 = arith.constant 0 : i32
      %dma_wait3A_229 = tpu.memref_slice %arg8[%dma_wait3A, %dma_wait3A_227, %dma_wait3A_228] : memref<8x128x64xf32, #tpu.memory_space<vmem>> -> memref<1x72x64xf32, #tpu.memory_space<vmem>>
      %dma_wait3A_230 = tpu.memref_squeeze %dma_wait3A_229 : memref<1x72x64xf32, #tpu.memory_space<vmem>> -> memref<72x64xf32, #tpu.memory_space<vmem>>
      %dma_wait3A_231 = arith.constant 128 : i32
      %dma_wait3A_232 = arith.constant 0 : i32
      %dma_wait3A_233 = tpu.memref_slice %arg5[%add3A_225, %dma_wait3A_231, %dma_wait3A_232] : memref<4096x200x128xf32, #tpu.memory_space<hbm>> -> memref<1x72x64xf32, #tpu.memory_space<hbm>>
      %dma_wait3A_234 = tpu.memref_squeeze %dma_wait3A_233 : memref<1x72x64xf32, #tpu.memory_space<hbm>> -> memref<72x64xf32, #tpu.memory_space<hbm>>
      %dma_wait3A_235 = tpu.memref_slice %arg10[%dma_wait3A_226] : memref<8x!tpu.dma_semaphore, #tpu.memory_space<semaphore_mem>> -> memref<1x!tpu.dma_semaphore, #tpu.memory_space<semaphore_mem>>
      %dma_wait3A_236 = tpu.memref_squeeze %dma_wait3A_235 : memref<1x!tpu.dma_semaphore, #tpu.memory_space<semaphore_mem>> -> memref<!tpu.dma_semaphore, #tpu.memory_space<semaphore_mem>>
      %dma_wait3A_237 = arith.constant 128 : i32
      %dma_wait3A_238 = arith.constant 0 : i32
      %dma_wait3A_239 = tpu.memref_slice %arg5[%add3A_225, %dma_wait3A_237, %dma_wait3A_238] : memref<4096x200x128xf32, #tpu.memory_space<hbm>> -> memref<1x72x64xf32, #tpu.memory_space<hbm>>
      %dma_wait3A_240 = tpu.memref_squeeze %dma_wait3A_239 : memref<1x72x64xf32, #tpu.memory_space<hbm>> -> memref<72x64xf32, #tpu.memory_space<hbm>>
      %dma_wait3A_241 = arith.constant 0 : i32
      %dma_wait3A_242 = arith.constant 0 : i32
      %dma_wait3A_243 = tpu.memref_slice %arg8[%dma_wait3A, %dma_wait3A_241, %dma_wait3A_242] : memref<8x128x64xf32, #tpu.memory_space<vmem>> -> memref<1x72x64xf32, #tpu.memory_space<vmem>>
      %dma_wait3A_244 = tpu.memref_squeeze %dma_wait3A_243 : memref<1x72x64xf32, #tpu.memory_space<vmem>> -> memref<72x64xf32, #tpu.memory_space<vmem>>
      tpu.wait_dma2 semaphore(%dma_wait3A_236 : memref<!tpu.dma_semaphore, #tpu.memory_space<semaphore_mem>>) src(%dma_wait3A_244 : memref<72x64xf32, #tpu.memory_space<vmem>>) dst(%dma_wait3A_240 : memref<72x64xf32, #tpu.memory_space<hbm>>)
    } else {
    }
    %div3A_113 = arith.constant 249 : i32
    %div3A_114 = arith.constant 2 : i32
    %div3A_115 = arith.divsi %div3A_113, %div3A_114 : i32
    %rem3A_116 = arith.constant 249 : i32
    %rem3A_117 = arith.constant 2 : i32
    %rem3A_118 = arith.remsi %rem3A_116, %rem3A_117 : i32
    %eq3A_119 = arith.constant 0 : i32
    %eq3A_120 = arith.cmpi eq, %rem3A_118, %eq3A_119 : i32
    %convert_element_type3A_121 = arith.extui %eq3A_120 : i1 to i32
    %cond3A_122 = arith.constant 0 : i32
    %cond3A_123 = arith.cmpi ne, %convert_element_type3A_121, %cond3A_122 : i32
    scf.if %cond3A_123 {
      %add3A_225 = arith.addi %mul3A_2, %div3A_115 : i32
      %dma_wait3A = arith.constant 1 : i32
      %dma_wait3A_226 = arith.constant 1 : i32
      %dma_wait3A_227 = arith.constant 0 : i32
      %dma_wait3A_228 = arith.constant 0 : i32
      %dma_wait3A_229 = tpu.memref_slice %arg8[%dma_wait3A, %dma_wait3A_227, %dma_wait3A_228] : memref<8x128x64xf32, #tpu.memory_space<vmem>> -> memref<1x128x64xf32, #tpu.memory_space<vmem>>
      %dma_wait3A_230 = tpu.memref_squeeze %dma_wait3A_229 : memref<1x128x64xf32, #tpu.memory_space<vmem>> -> memref<128x64xf32, #tpu.memory_space<vmem>>
      %dma_wait3A_231 = arith.constant 0 : i32
      %dma_wait3A_232 = arith.constant 0 : i32
      %dma_wait3A_233 = tpu.memref_slice %arg5[%add3A_225, %dma_wait3A_231, %dma_wait3A_232] : memref<4096x200x128xf32, #tpu.memory_space<hbm>> -> memref<1x128x64xf32, #tpu.memory_space<hbm>>
      %dma_wait3A_234 = tpu.memref_squeeze %dma_wait3A_233 : memref<1x128x64xf32, #tpu.memory_space<hbm>> -> memref<128x64xf32, #tpu.memory_space<hbm>>
      %dma_wait3A_235 = tpu.memref_slice %arg10[%dma_wait3A_226] : memref<8x!tpu.dma_semaphore, #tpu.memory_space<semaphore_mem>> -> memref<1x!tpu.dma_semaphore, #tpu.memory_space<semaphore_mem>>
      %dma_wait3A_236 = tpu.memref_squeeze %dma_wait3A_235 : memref<1x!tpu.dma_semaphore, #tpu.memory_space<semaphore_mem>> -> memref<!tpu.dma_semaphore, #tpu.memory_space<semaphore_mem>>
      %dma_wait3A_237 = arith.constant 0 : i32
      %dma_wait3A_238 = arith.constant 0 : i32
      %dma_wait3A_239 = tpu.memref_slice %arg5[%add3A_225, %dma_wait3A_237, %dma_wait3A_238] : memref<4096x200x128xf32, #tpu.memory_space<hbm>> -> memref<1x128x64xf32, #tpu.memory_space<hbm>>
      %dma_wait3A_240 = tpu.memref_squeeze %dma_wait3A_239 : memref<1x128x64xf32, #tpu.memory_space<hbm>> -> memref<128x64xf32, #tpu.memory_space<hbm>>
      %dma_wait3A_241 = arith.constant 0 : i32
      %dma_wait3A_242 = arith.constant 0 : i32
      %dma_wait3A_243 = tpu.memref_slice %arg8[%dma_wait3A, %dma_wait3A_241, %dma_wait3A_242] : memref<8x128x64xf32, #tpu.memory_space<vmem>> -> memref<1x128x64xf32, #tpu.memory_space<vmem>>
      %dma_wait3A_244 = tpu.memref_squeeze %dma_wait3A_243 : memref<1x128x64xf32, #tpu.memory_space<vmem>> -> memref<128x64xf32, #tpu.memory_space<vmem>>
      tpu.wait_dma2 semaphore(%dma_wait3A_236 : memref<!tpu.dma_semaphore, #tpu.memory_space<semaphore_mem>>) src(%dma_wait3A_244 : memref<128x64xf32, #tpu.memory_space<vmem>>) dst(%dma_wait3A_240 : memref<128x64xf32, #tpu.memory_space<hbm>>)
    } else {
    }
    %not3A_124 = arith.constant true
    %not3A_125 = arith.xori %eq3A_120, %not3A_124 : i1
    %convert_element_type3A_126 = arith.extui %not3A_125 : i1 to i32
    %cond3A_127 = arith.constant 0 : i32
    %cond3A_128 = arith.cmpi ne, %convert_element_type3A_126, %cond3A_127 : i32
    scf.if %cond3A_128 {
      %add3A_225 = arith.addi %mul3A_2, %div3A_115 : i32
      %dma_wait3A = arith.constant 1 : i32
      %dma_wait3A_226 = arith.constant 1 : i32
      %dma_wait3A_227 = arith.constant 0 : i32
      %dma_wait3A_228 = arith.constant 0 : i32
      %dma_wait3A_229 = tpu.memref_slice %arg8[%dma_wait3A, %dma_wait3A_227, %dma_wait3A_228] : memref<8x128x64xf32, #tpu.memory_space<vmem>> -> memref<1x72x64xf32, #tpu.memory_space<vmem>>
      %dma_wait3A_230 = tpu.memref_squeeze %dma_wait3A_229 : memref<1x72x64xf32, #tpu.memory_space<vmem>> -> memref<72x64xf32, #tpu.memory_space<vmem>>
      %dma_wait3A_231 = arith.constant 128 : i32
      %dma_wait3A_232 = arith.constant 0 : i32
      %dma_wait3A_233 = tpu.memref_slice %arg5[%add3A_225, %dma_wait3A_231, %dma_wait3A_232] : memref<4096x200x128xf32, #tpu.memory_space<hbm>> -> memref<1x72x64xf32, #tpu.memory_space<hbm>>
      %dma_wait3A_234 = tpu.memref_squeeze %dma_wait3A_233 : memref<1x72x64xf32, #tpu.memory_space<hbm>> -> memref<72x64xf32, #tpu.memory_space<hbm>>
      %dma_wait3A_235 = tpu.memref_slice %arg10[%dma_wait3A_226] : memref<8x!tpu.dma_semaphore, #tpu.memory_space<semaphore_mem>> -> memref<1x!tpu.dma_semaphore, #tpu.memory_space<semaphore_mem>>
      %dma_wait3A_236 = tpu.memref_squeeze %dma_wait3A_235 : memref<1x!tpu.dma_semaphore, #tpu.memory_space<semaphore_mem>> -> memref<!tpu.dma_semaphore, #tpu.memory_space<semaphore_mem>>
      %dma_wait3A_237 = arith.constant 128 : i32
      %dma_wait3A_238 = arith.constant 0 : i32
      %dma_wait3A_239 = tpu.memref_slice %arg5[%add3A_225, %dma_wait3A_237, %dma_wait3A_238] : memref<4096x200x128xf32, #tpu.memory_space<hbm>> -> memref<1x72x64xf32, #tpu.memory_space<hbm>>
      %dma_wait3A_240 = tpu.memref_squeeze %dma_wait3A_239 : memref<1x72x64xf32, #tpu.memory_space<hbm>> -> memref<72x64xf32, #tpu.memory_space<hbm>>
      %dma_wait3A_241 = arith.constant 0 : i32
      %dma_wait3A_242 = arith.constant 0 : i32
      %dma_wait3A_243 = tpu.memref_slice %arg8[%dma_wait3A, %dma_wait3A_241, %dma_wait3A_242] : memref<8x128x64xf32, #tpu.memory_space<vmem>> -> memref<1x72x64xf32, #tpu.memory_space<vmem>>
      %dma_wait3A_244 = tpu.memref_squeeze %dma_wait3A_243 : memref<1x72x64xf32, #tpu.memory_space<vmem>> -> memref<72x64xf32, #tpu.memory_space<vmem>>
      tpu.wait_dma2 semaphore(%dma_wait3A_236 : memref<!tpu.dma_semaphore, #tpu.memory_space<semaphore_mem>>) src(%dma_wait3A_244 : memref<72x64xf32, #tpu.memory_space<vmem>>) dst(%dma_wait3A_240 : memref<72x64xf32, #tpu.memory_space<hbm>>)
    } else {
    }
    %div3A_129 = arith.constant 250 : i32
    %div3A_130 = arith.constant 2 : i32
    %div3A_131 = arith.divsi %div3A_129, %div3A_130 : i32
    %rem3A_132 = arith.constant 250 : i32
    %rem3A_133 = arith.constant 2 : i32
    %rem3A_134 = arith.remsi %rem3A_132, %rem3A_133 : i32
    %eq3A_135 = arith.constant 0 : i32
    %eq3A_136 = arith.cmpi eq, %rem3A_134, %eq3A_135 : i32
    %convert_element_type3A_137 = arith.extui %eq3A_136 : i1 to i32
    %cond3A_138 = arith.constant 0 : i32
    %cond3A_139 = arith.cmpi ne, %convert_element_type3A_137, %cond3A_138 : i32
    scf.if %cond3A_139 {
      %add3A_225 = arith.addi %mul3A_2, %div3A_131 : i32
      %dma_wait3A = arith.constant 2 : i32
      %dma_wait3A_226 = arith.constant 2 : i32
      %dma_wait3A_227 = arith.constant 0 : i32
      %dma_wait3A_228 = arith.constant 0 : i32
      %dma_wait3A_229 = tpu.memref_slice %arg8[%dma_wait3A, %dma_wait3A_227, %dma_wait3A_228] : memref<8x128x64xf32, #tpu.memory_space<vmem>> -> memref<1x128x64xf32, #tpu.memory_space<vmem>>
      %dma_wait3A_230 = tpu.memref_squeeze %dma_wait3A_229 : memref<1x128x64xf32, #tpu.memory_space<vmem>> -> memref<128x64xf32, #tpu.memory_space<vmem>>
      %dma_wait3A_231 = arith.constant 0 : i32
      %dma_wait3A_232 = arith.constant 0 : i32
      %dma_wait3A_233 = tpu.memref_slice %arg5[%add3A_225, %dma_wait3A_231, %dma_wait3A_232] : memref<4096x200x128xf32, #tpu.memory_space<hbm>> -> memref<1x128x64xf32, #tpu.memory_space<hbm>>
      %dma_wait3A_234 = tpu.memref_squeeze %dma_wait3A_233 : memref<1x128x64xf32, #tpu.memory_space<hbm>> -> memref<128x64xf32, #tpu.memory_space<hbm>>
      %dma_wait3A_235 = tpu.memref_slice %arg10[%dma_wait3A_226] : memref<8x!tpu.dma_semaphore, #tpu.memory_space<semaphore_mem>> -> memref<1x!tpu.dma_semaphore, #tpu.memory_space<semaphore_mem>>
      %dma_wait3A_236 = tpu.memref_squeeze %dma_wait3A_235 : memref<1x!tpu.dma_semaphore, #tpu.memory_space<semaphore_mem>> -> memref<!tpu.dma_semaphore, #tpu.memory_space<semaphore_mem>>
      %dma_wait3A_237 = arith.constant 0 : i32
      %dma_wait3A_238 = arith.constant 0 : i32
      %dma_wait3A_239 = tpu.memref_slice %arg5[%add3A_225, %dma_wait3A_237, %dma_wait3A_238] : memref<4096x200x128xf32, #tpu.memory_space<hbm>> -> memref<1x128x64xf32, #tpu.memory_space<hbm>>
      %dma_wait3A_240 = tpu.memref_squeeze %dma_wait3A_239 : memref<1x128x64xf32, #tpu.memory_space<hbm>> -> memref<128x64xf32, #tpu.memory_space<hbm>>
      %dma_wait3A_241 = arith.constant 0 : i32
      %dma_wait3A_242 = arith.constant 0 : i32
      %dma_wait3A_243 = tpu.memref_slice %arg8[%dma_wait3A, %dma_wait3A_241, %dma_wait3A_242] : memref<8x128x64xf32, #tpu.memory_space<vmem>> -> memref<1x128x64xf32, #tpu.memory_space<vmem>>
      %dma_wait3A_244 = tpu.memref_squeeze %dma_wait3A_243 : memref<1x128x64xf32, #tpu.memory_space<vmem>> -> memref<128x64xf32, #tpu.memory_space<vmem>>
      tpu.wait_dma2 semaphore(%dma_wait3A_236 : memref<!tpu.dma_semaphore, #tpu.memory_space<semaphore_mem>>) src(%dma_wait3A_244 : memref<128x64xf32, #tpu.memory_space<vmem>>) dst(%dma_wait3A_240 : memref<128x64xf32, #tpu.memory_space<hbm>>)
    } else {
    }
    %not3A_140 = arith.constant true
    %not3A_141 = arith.xori %eq3A_136, %not3A_140 : i1
    %convert_element_type3A_142 = arith.extui %not3A_141 : i1 to i32
    %cond3A_143 = arith.constant 0 : i32
    %cond3A_144 = arith.cmpi ne, %convert_element_type3A_142, %cond3A_143 : i32
    scf.if %cond3A_144 {
      %add3A_225 = arith.addi %mul3A_2, %div3A_131 : i32
      %dma_wait3A = arith.constant 2 : i32
      %dma_wait3A_226 = arith.constant 2 : i32
      %dma_wait3A_227 = arith.constant 0 : i32
      %dma_wait3A_228 = arith.constant 0 : i32
      %dma_wait3A_229 = tpu.memref_slice %arg8[%dma_wait3A, %dma_wait3A_227, %dma_wait3A_228] : memref<8x128x64xf32, #tpu.memory_space<vmem>> -> memref<1x72x64xf32, #tpu.memory_space<vmem>>
      %dma_wait3A_230 = tpu.memref_squeeze %dma_wait3A_229 : memref<1x72x64xf32, #tpu.memory_space<vmem>> -> memref<72x64xf32, #tpu.memory_space<vmem>>
      %dma_wait3A_231 = arith.constant 128 : i32
      %dma_wait3A_232 = arith.constant 0 : i32
      %dma_wait3A_233 = tpu.memref_slice %arg5[%add3A_225, %dma_wait3A_231, %dma_wait3A_232] : memref<4096x200x128xf32, #tpu.memory_space<hbm>> -> memref<1x72x64xf32, #tpu.memory_space<hbm>>
      %dma_wait3A_234 = tpu.memref_squeeze %dma_wait3A_233 : memref<1x72x64xf32, #tpu.memory_space<hbm>> -> memref<72x64xf32, #tpu.memory_space<hbm>>
      %dma_wait3A_235 = tpu.memref_slice %arg10[%dma_wait3A_226] : memref<8x!tpu.dma_semaphore, #tpu.memory_space<semaphore_mem>> -> memref<1x!tpu.dma_semaphore, #tpu.memory_space<semaphore_mem>>
      %dma_wait3A_236 = tpu.memref_squeeze %dma_wait3A_235 : memref<1x!tpu.dma_semaphore, #tpu.memory_space<semaphore_mem>> -> memref<!tpu.dma_semaphore, #tpu.memory_space<semaphore_mem>>
      %dma_wait3A_237 = arith.constant 128 : i32
      %dma_wait3A_238 = arith.constant 0 : i32
      %dma_wait3A_239 = tpu.memref_slice %arg5[%add3A_225, %dma_wait3A_237, %dma_wait3A_238] : memref<4096x200x128xf32, #tpu.memory_space<hbm>> -> memref<1x72x64xf32, #tpu.memory_space<hbm>>
      %dma_wait3A_240 = tpu.memref_squeeze %dma_wait3A_239 : memref<1x72x64xf32, #tpu.memory_space<hbm>> -> memref<72x64xf32, #tpu.memory_space<hbm>>
      %dma_wait3A_241 = arith.constant 0 : i32
      %dma_wait3A_242 = arith.constant 0 : i32
      %dma_wait3A_243 = tpu.memref_slice %arg8[%dma_wait3A, %dma_wait3A_241, %dma_wait3A_242] : memref<8x128x64xf32, #tpu.memory_space<vmem>> -> memref<1x72x64xf32, #tpu.memory_space<vmem>>
      %dma_wait3A_244 = tpu.memref_squeeze %dma_wait3A_243 : memref<1x72x64xf32, #tpu.memory_space<vmem>> -> memref<72x64xf32, #tpu.memory_space<vmem>>
      tpu.wait_dma2 semaphore(%dma_wait3A_236 : memref<!tpu.dma_semaphore, #tpu.memory_space<semaphore_mem>>) src(%dma_wait3A_244 : memref<72x64xf32, #tpu.memory_space<vmem>>) dst(%dma_wait3A_240 : memref<72x64xf32, #tpu.memory_space<hbm>>)
    } else {
    }
    %div3A_145 = arith.constant 251 : i32
    %div3A_146 = arith.constant 2 : i32
    %div3A_147 = arith.divsi %div3A_145, %div3A_146 : i32
    %rem3A_148 = arith.constant 251 : i32
    %rem3A_149 = arith.constant 2 : i32
    %rem3A_150 = arith.remsi %rem3A_148, %rem3A_149 : i32
    %eq3A_151 = arith.constant 0 : i32
    %eq3A_152 = arith.cmpi eq, %rem3A_150, %eq3A_151 : i32
    %convert_element_type3A_153 = arith.extui %eq3A_152 : i1 to i32
    %cond3A_154 = arith.constant 0 : i32
    %cond3A_155 = arith.cmpi ne, %convert_element_type3A_153, %cond3A_154 : i32
    scf.if %cond3A_155 {
      %add3A_225 = arith.addi %mul3A_2, %div3A_147 : i32
      %dma_wait3A = arith.constant 3 : i32
      %dma_wait3A_226 = arith.constant 3 : i32
      %dma_wait3A_227 = arith.constant 0 : i32
      %dma_wait3A_228 = arith.constant 0 : i32
      %dma_wait3A_229 = tpu.memref_slice %arg8[%dma_wait3A, %dma_wait3A_227, %dma_wait3A_228] : memref<8x128x64xf32, #tpu.memory_space<vmem>> -> memref<1x128x64xf32, #tpu.memory_space<vmem>>
      %dma_wait3A_230 = tpu.memref_squeeze %dma_wait3A_229 : memref<1x128x64xf32, #tpu.memory_space<vmem>> -> memref<128x64xf32, #tpu.memory_space<vmem>>
      %dma_wait3A_231 = arith.constant 0 : i32
      %dma_wait3A_232 = arith.constant 0 : i32
      %dma_wait3A_233 = tpu.memref_slice %arg5[%add3A_225, %dma_wait3A_231, %dma_wait3A_232] : memref<4096x200x128xf32, #tpu.memory_space<hbm>> -> memref<1x128x64xf32, #tpu.memory_space<hbm>>
      %dma_wait3A_234 = tpu.memref_squeeze %dma_wait3A_233 : memref<1x128x64xf32, #tpu.memory_space<hbm>> -> memref<128x64xf32, #tpu.memory_space<hbm>>
      %dma_wait3A_235 = tpu.memref_slice %arg10[%dma_wait3A_226] : memref<8x!tpu.dma_semaphore, #tpu.memory_space<semaphore_mem>> -> memref<1x!tpu.dma_semaphore, #tpu.memory_space<semaphore_mem>>
      %dma_wait3A_236 = tpu.memref_squeeze %dma_wait3A_235 : memref<1x!tpu.dma_semaphore, #tpu.memory_space<semaphore_mem>> -> memref<!tpu.dma_semaphore, #tpu.memory_space<semaphore_mem>>
      %dma_wait3A_237 = arith.constant 0 : i32
      %dma_wait3A_238 = arith.constant 0 : i32
      %dma_wait3A_239 = tpu.memref_slice %arg5[%add3A_225, %dma_wait3A_237, %dma_wait3A_238] : memref<4096x200x128xf32, #tpu.memory_space<hbm>> -> memref<1x128x64xf32, #tpu.memory_space<hbm>>
      %dma_wait3A_240 = tpu.memref_squeeze %dma_wait3A_239 : memref<1x128x64xf32, #tpu.memory_space<hbm>> -> memref<128x64xf32, #tpu.memory_space<hbm>>
      %dma_wait3A_241 = arith.constant 0 : i32
      %dma_wait3A_242 = arith.constant 0 : i32
      %dma_wait3A_243 = tpu.memref_slice %arg8[%dma_wait3A, %dma_wait3A_241, %dma_wait3A_242] : memref<8x128x64xf32, #tpu.memory_space<vmem>> -> memref<1x128x64xf32, #tpu.memory_space<vmem>>
      %dma_wait3A_244 = tpu.memref_squeeze %dma_wait3A_243 : memref<1x128x64xf32, #tpu.memory_space<vmem>> -> memref<128x64xf32, #tpu.memory_space<vmem>>
      tpu.wait_dma2 semaphore(%dma_wait3A_236 : memref<!tpu.dma_semaphore, #tpu.memory_space<semaphore_mem>>) src(%dma_wait3A_244 : memref<128x64xf32, #tpu.memory_space<vmem>>) dst(%dma_wait3A_240 : memref<128x64xf32, #tpu.memory_space<hbm>>)
    } else {
    }
    %not3A_156 = arith.constant true
    %not3A_157 = arith.xori %eq3A_152, %not3A_156 : i1
    %convert_element_type3A_158 = arith.extui %not3A_157 : i1 to i32
    %cond3A_159 = arith.constant 0 : i32
    %cond3A_160 = arith.cmpi ne, %convert_element_type3A_158, %cond3A_159 : i32
    scf.if %cond3A_160 {
      %add3A_225 = arith.addi %mul3A_2, %div3A_147 : i32
      %dma_wait3A = arith.constant 3 : i32
      %dma_wait3A_226 = arith.constant 3 : i32
      %dma_wait3A_227 = arith.constant 0 : i32
      %dma_wait3A_228 = arith.constant 0 : i32
      %dma_wait3A_229 = tpu.memref_slice %arg8[%dma_wait3A, %dma_wait3A_227, %dma_wait3A_228] : memref<8x128x64xf32, #tpu.memory_space<vmem>> -> memref<1x72x64xf32, #tpu.memory_space<vmem>>
      %dma_wait3A_230 = tpu.memref_squeeze %dma_wait3A_229 : memref<1x72x64xf32, #tpu.memory_space<vmem>> -> memref<72x64xf32, #tpu.memory_space<vmem>>
      %dma_wait3A_231 = arith.constant 128 : i32
      %dma_wait3A_232 = arith.constant 0 : i32
      %dma_wait3A_233 = tpu.memref_slice %arg5[%add3A_225, %dma_wait3A_231, %dma_wait3A_232] : memref<4096x200x128xf32, #tpu.memory_space<hbm>> -> memref<1x72x64xf32, #tpu.memory_space<hbm>>
      %dma_wait3A_234 = tpu.memref_squeeze %dma_wait3A_233 : memref<1x72x64xf32, #tpu.memory_space<hbm>> -> memref<72x64xf32, #tpu.memory_space<hbm>>
      %dma_wait3A_235 = tpu.memref_slice %arg10[%dma_wait3A_226] : memref<8x!tpu.dma_semaphore, #tpu.memory_space<semaphore_mem>> -> memref<1x!tpu.dma_semaphore, #tpu.memory_space<semaphore_mem>>
      %dma_wait3A_236 = tpu.memref_squeeze %dma_wait3A_235 : memref<1x!tpu.dma_semaphore, #tpu.memory_space<semaphore_mem>> -> memref<!tpu.dma_semaphore, #tpu.memory_space<semaphore_mem>>
      %dma_wait3A_237 = arith.constant 128 : i32
      %dma_wait3A_238 = arith.constant 0 : i32
      %dma_wait3A_239 = tpu.memref_slice %arg5[%add3A_225, %dma_wait3A_237, %dma_wait3A_238] : memref<4096x200x128xf32, #tpu.memory_space<hbm>> -> memref<1x72x64xf32, #tpu.memory_space<hbm>>
      %dma_wait3A_240 = tpu.memref_squeeze %dma_wait3A_239 : memref<1x72x64xf32, #tpu.memory_space<hbm>> -> memref<72x64xf32, #tpu.memory_space<hbm>>
      %dma_wait3A_241 = arith.constant 0 : i32
      %dma_wait3A_242 = arith.constant 0 : i32
      %dma_wait3A_243 = tpu.memref_slice %arg8[%dma_wait3A, %dma_wait3A_241, %dma_wait3A_242] : memref<8x128x64xf32, #tpu.memory_space<vmem>> -> memref<1x72x64xf32, #tpu.memory_space<vmem>>
      %dma_wait3A_244 = tpu.memref_squeeze %dma_wait3A_243 : memref<1x72x64xf32, #tpu.memory_space<vmem>> -> memref<72x64xf32, #tpu.memory_space<vmem>>
      tpu.wait_dma2 semaphore(%dma_wait3A_236 : memref<!tpu.dma_semaphore, #tpu.memory_space<semaphore_mem>>) src(%dma_wait3A_244 : memref<72x64xf32, #tpu.memory_space<vmem>>) dst(%dma_wait3A_240 : memref<72x64xf32, #tpu.memory_space<hbm>>)
    } else {
    }
    %div3A_161 = arith.constant 252 : i32
    %div3A_162 = arith.constant 2 : i32
    %div3A_163 = arith.divsi %div3A_161, %div3A_162 : i32
    %rem3A_164 = arith.constant 252 : i32
    %rem3A_165 = arith.constant 2 : i32
    %rem3A_166 = arith.remsi %rem3A_164, %rem3A_165 : i32
    %eq3A_167 = arith.constant 0 : i32
    %eq3A_168 = arith.cmpi eq, %rem3A_166, %eq3A_167 : i32
    %convert_element_type3A_169 = arith.extui %eq3A_168 : i1 to i32
    %cond3A_170 = arith.constant 0 : i32
    %cond3A_171 = arith.cmpi ne, %convert_element_type3A_169, %cond3A_170 : i32
    scf.if %cond3A_171 {
      %add3A_225 = arith.addi %mul3A_2, %div3A_163 : i32
      %dma_wait3A = arith.constant 4 : i32
      %dma_wait3A_226 = arith.constant 4 : i32
      %dma_wait3A_227 = arith.constant 0 : i32
      %dma_wait3A_228 = arith.constant 0 : i32
      %dma_wait3A_229 = tpu.memref_slice %arg8[%dma_wait3A, %dma_wait3A_227, %dma_wait3A_228] : memref<8x128x64xf32, #tpu.memory_space<vmem>> -> memref<1x128x64xf32, #tpu.memory_space<vmem>>
      %dma_wait3A_230 = tpu.memref_squeeze %dma_wait3A_229 : memref<1x128x64xf32, #tpu.memory_space<vmem>> -> memref<128x64xf32, #tpu.memory_space<vmem>>
      %dma_wait3A_231 = arith.constant 0 : i32
      %dma_wait3A_232 = arith.constant 0 : i32
      %dma_wait3A_233 = tpu.memref_slice %arg5[%add3A_225, %dma_wait3A_231, %dma_wait3A_232] : memref<4096x200x128xf32, #tpu.memory_space<hbm>> -> memref<1x128x64xf32, #tpu.memory_space<hbm>>
      %dma_wait3A_234 = tpu.memref_squeeze %dma_wait3A_233 : memref<1x128x64xf32, #tpu.memory_space<hbm>> -> memref<128x64xf32, #tpu.memory_space<hbm>>
      %dma_wait3A_235 = tpu.memref_slice %arg10[%dma_wait3A_226] : memref<8x!tpu.dma_semaphore, #tpu.memory_space<semaphore_mem>> -> memref<1x!tpu.dma_semaphore, #tpu.memory_space<semaphore_mem>>
      %dma_wait3A_236 = tpu.memref_squeeze %dma_wait3A_235 : memref<1x!tpu.dma_semaphore, #tpu.memory_space<semaphore_mem>> -> memref<!tpu.dma_semaphore, #tpu.memory_space<semaphore_mem>>
      %dma_wait3A_237 = arith.constant 0 : i32
      %dma_wait3A_238 = arith.constant 0 : i32
      %dma_wait3A_239 = tpu.memref_slice %arg5[%add3A_225, %dma_wait3A_237, %dma_wait3A_238] : memref<4096x200x128xf32, #tpu.memory_space<hbm>> -> memref<1x128x64xf32, #tpu.memory_space<hbm>>
      %dma_wait3A_240 = tpu.memref_squeeze %dma_wait3A_239 : memref<1x128x64xf32, #tpu.memory_space<hbm>> -> memref<128x64xf32, #tpu.memory_space<hbm>>
      %dma_wait3A_241 = arith.constant 0 : i32
      %dma_wait3A_242 = arith.constant 0 : i32
      %dma_wait3A_243 = tpu.memref_slice %arg8[%dma_wait3A, %dma_wait3A_241, %dma_wait3A_242] : memref<8x128x64xf32, #tpu.memory_space<vmem>> -> memref<1x128x64xf32, #tpu.memory_space<vmem>>
      %dma_wait3A_244 = tpu.memref_squeeze %dma_wait3A_243 : memref<1x128x64xf32, #tpu.memory_space<vmem>> -> memref<128x64xf32, #tpu.memory_space<vmem>>
      tpu.wait_dma2 semaphore(%dma_wait3A_236 : memref<!tpu.dma_semaphore, #tpu.memory_space<semaphore_mem>>) src(%dma_wait3A_244 : memref<128x64xf32, #tpu.memory_space<vmem>>) dst(%dma_wait3A_240 : memref<128x64xf32, #tpu.memory_space<hbm>>)
    } else {
    }
    %not3A_172 = arith.constant true
    %not3A_173 = arith.xori %eq3A_168, %not3A_172 : i1
    %convert_element_type3A_174 = arith.extui %not3A_173 : i1 to i32
    %cond3A_175 = arith.constant 0 : i32
    %cond3A_176 = arith.cmpi ne, %convert_element_type3A_174, %cond3A_175 : i32
    scf.if %cond3A_176 {
      %add3A_225 = arith.addi %mul3A_2, %div3A_163 : i32
      %dma_wait3A = arith.constant 4 : i32
      %dma_wait3A_226 = arith.constant 4 : i32
      %dma_wait3A_227 = arith.constant 0 : i32
      %dma_wait3A_228 = arith.constant 0 : i32
      %dma_wait3A_229 = tpu.memref_slice %arg8[%dma_wait3A, %dma_wait3A_227, %dma_wait3A_228] : memref<8x128x64xf32, #tpu.memory_space<vmem>> -> memref<1x72x64xf32, #tpu.memory_space<vmem>>
      %dma_wait3A_230 = tpu.memref_squeeze %dma_wait3A_229 : memref<1x72x64xf32, #tpu.memory_space<vmem>> -> memref<72x64xf32, #tpu.memory_space<vmem>>
      %dma_wait3A_231 = arith.constant 128 : i32
      %dma_wait3A_232 = arith.constant 0 : i32
      %dma_wait3A_233 = tpu.memref_slice %arg5[%add3A_225, %dma_wait3A_231, %dma_wait3A_232] : memref<4096x200x128xf32, #tpu.memory_space<hbm>> -> memref<1x72x64xf32, #tpu.memory_space<hbm>>
      %dma_wait3A_234 = tpu.memref_squeeze %dma_wait3A_233 : memref<1x72x64xf32, #tpu.memory_space<hbm>> -> memref<72x64xf32, #tpu.memory_space<hbm>>
      %dma_wait3A_235 = tpu.memref_slice %arg10[%dma_wait3A_226] : memref<8x!tpu.dma_semaphore, #tpu.memory_space<semaphore_mem>> -> memref<1x!tpu.dma_semaphore, #tpu.memory_space<semaphore_mem>>
      %dma_wait3A_236 = tpu.memref_squeeze %dma_wait3A_235 : memref<1x!tpu.dma_semaphore, #tpu.memory_space<semaphore_mem>> -> memref<!tpu.dma_semaphore, #tpu.memory_space<semaphore_mem>>
      %dma_wait3A_237 = arith.constant 128 : i32
      %dma_wait3A_238 = arith.constant 0 : i32
      %dma_wait3A_239 = tpu.memref_slice %arg5[%add3A_225, %dma_wait3A_237, %dma_wait3A_238] : memref<4096x200x128xf32, #tpu.memory_space<hbm>> -> memref<1x72x64xf32, #tpu.memory_space<hbm>>
      %dma_wait3A_240 = tpu.memref_squeeze %dma_wait3A_239 : memref<1x72x64xf32, #tpu.memory_space<hbm>> -> memref<72x64xf32, #tpu.memory_space<hbm>>
      %dma_wait3A_241 = arith.constant 0 : i32
      %dma_wait3A_242 = arith.constant 0 : i32
      %dma_wait3A_243 = tpu.memref_slice %arg8[%dma_wait3A, %dma_wait3A_241, %dma_wait3A_242] : memref<8x128x64xf32, #tpu.memory_space<vmem>> -> memref<1x72x64xf32, #tpu.memory_space<vmem>>
      %dma_wait3A_244 = tpu.memref_squeeze %dma_wait3A_243 : memref<1x72x64xf32, #tpu.memory_space<vmem>> -> memref<72x64xf32, #tpu.memory_space<vmem>>
      tpu.wait_dma2 semaphore(%dma_wait3A_236 : memref<!tpu.dma_semaphore, #tpu.memory_space<semaphore_mem>>) src(%dma_wait3A_244 : memref<72x64xf32, #tpu.memory_space<vmem>>) dst(%dma_wait3A_240 : memref<72x64xf32, #tpu.memory_space<hbm>>)
    } else {
    }
    %div3A_177 = arith.constant 253 : i32
    %div3A_178 = arith.constant 2 : i32
    %div3A_179 = arith.divsi %div3A_177, %div3A_178 : i32
    %rem3A_180 = arith.constant 253 : i32
    %rem3A_181 = arith.constant 2 : i32
    %rem3A_182 = arith.remsi %rem3A_180, %rem3A_181 : i32
    %eq3A_183 = arith.constant 0 : i32
    %eq3A_184 = arith.cmpi eq, %rem3A_182, %eq3A_183 : i32
    %convert_element_type3A_185 = arith.extui %eq3A_184 : i1 to i32
    %cond3A_186 = arith.constant 0 : i32
    %cond3A_187 = arith.cmpi ne, %convert_element_type3A_185, %cond3A_186 : i32
    scf.if %cond3A_187 {
      %add3A_225 = arith.addi %mul3A_2, %div3A_179 : i32
      %dma_wait3A = arith.constant 5 : i32
      %dma_wait3A_226 = arith.constant 5 : i32
      %dma_wait3A_227 = arith.constant 0 : i32
      %dma_wait3A_228 = arith.constant 0 : i32
      %dma_wait3A_229 = tpu.memref_slice %arg8[%dma_wait3A, %dma_wait3A_227, %dma_wait3A_228] : memref<8x128x64xf32, #tpu.memory_space<vmem>> -> memref<1x128x64xf32, #tpu.memory_space<vmem>>
      %dma_wait3A_230 = tpu.memref_squeeze %dma_wait3A_229 : memref<1x128x64xf32, #tpu.memory_space<vmem>> -> memref<128x64xf32, #tpu.memory_space<vmem>>
      %dma_wait3A_231 = arith.constant 0 : i32
      %dma_wait3A_232 = arith.constant 0 : i32
      %dma_wait3A_233 = tpu.memref_slice %arg5[%add3A_225, %dma_wait3A_231, %dma_wait3A_232] : memref<4096x200x128xf32, #tpu.memory_space<hbm>> -> memref<1x128x64xf32, #tpu.memory_space<hbm>>
      %dma_wait3A_234 = tpu.memref_squeeze %dma_wait3A_233 : memref<1x128x64xf32, #tpu.memory_space<hbm>> -> memref<128x64xf32, #tpu.memory_space<hbm>>
      %dma_wait3A_235 = tpu.memref_slice %arg10[%dma_wait3A_226] : memref<8x!tpu.dma_semaphore, #tpu.memory_space<semaphore_mem>> -> memref<1x!tpu.dma_semaphore, #tpu.memory_space<semaphore_mem>>
      %dma_wait3A_236 = tpu.memref_squeeze %dma_wait3A_235 : memref<1x!tpu.dma_semaphore, #tpu.memory_space<semaphore_mem>> -> memref<!tpu.dma_semaphore, #tpu.memory_space<semaphore_mem>>
      %dma_wait3A_237 = arith.constant 0 : i32
      %dma_wait3A_238 = arith.constant 0 : i32
      %dma_wait3A_239 = tpu.memref_slice %arg5[%add3A_225, %dma_wait3A_237, %dma_wait3A_238] : memref<4096x200x128xf32, #tpu.memory_space<hbm>> -> memref<1x128x64xf32, #tpu.memory_space<hbm>>
      %dma_wait3A_240 = tpu.memref_squeeze %dma_wait3A_239 : memref<1x128x64xf32, #tpu.memory_space<hbm>> -> memref<128x64xf32, #tpu.memory_space<hbm>>
      %dma_wait3A_241 = arith.constant 0 : i32
      %dma_wait3A_242 = arith.constant 0 : i32
      %dma_wait3A_243 = tpu.memref_slice %arg8[%dma_wait3A, %dma_wait3A_241, %dma_wait3A_242] : memref<8x128x64xf32, #tpu.memory_space<vmem>> -> memref<1x128x64xf32, #tpu.memory_space<vmem>>
      %dma_wait3A_244 = tpu.memref_squeeze %dma_wait3A_243 : memref<1x128x64xf32, #tpu.memory_space<vmem>> -> memref<128x64xf32, #tpu.memory_space<vmem>>
      tpu.wait_dma2 semaphore(%dma_wait3A_236 : memref<!tpu.dma_semaphore, #tpu.memory_space<semaphore_mem>>) src(%dma_wait3A_244 : memref<128x64xf32, #tpu.memory_space<vmem>>) dst(%dma_wait3A_240 : memref<128x64xf32, #tpu.memory_space<hbm>>)
    } else {
    }
    %not3A_188 = arith.constant true
    %not3A_189 = arith.xori %eq3A_184, %not3A_188 : i1
    %convert_element_type3A_190 = arith.extui %not3A_189 : i1 to i32
    %cond3A_191 = arith.constant 0 : i32
    %cond3A_192 = arith.cmpi ne, %convert_element_type3A_190, %cond3A_191 : i32
    scf.if %cond3A_192 {
      %add3A_225 = arith.addi %mul3A_2, %div3A_179 : i32
      %dma_wait3A = arith.constant 5 : i32
      %dma_wait3A_226 = arith.constant 5 : i32
      %dma_wait3A_227 = arith.constant 0 : i32
      %dma_wait3A_228 = arith.constant 0 : i32
      %dma_wait3A_229 = tpu.memref_slice %arg8[%dma_wait3A, %dma_wait3A_227, %dma_wait3A_228] : memref<8x128x64xf32, #tpu.memory_space<vmem>> -> memref<1x72x64xf32, #tpu.memory_space<vmem>>
      %dma_wait3A_230 = tpu.memref_squeeze %dma_wait3A_229 : memref<1x72x64xf32, #tpu.memory_space<vmem>> -> memref<72x64xf32, #tpu.memory_space<vmem>>
      %dma_wait3A_231 = arith.constant 128 : i32
      %dma_wait3A_232 = arith.constant 0 : i32
      %dma_wait3A_233 = tpu.memref_slice %arg5[%add3A_225, %dma_wait3A_231, %dma_wait3A_232] : memref<4096x200x128xf32, #tpu.memory_space<hbm>> -> memref<1x72x64xf32, #tpu.memory_space<hbm>>
      %dma_wait3A_234 = tpu.memref_squeeze %dma_wait3A_233 : memref<1x72x64xf32, #tpu.memory_space<hbm>> -> memref<72x64xf32, #tpu.memory_space<hbm>>
      %dma_wait3A_235 = tpu.memref_slice %arg10[%dma_wait3A_226] : memref<8x!tpu.dma_semaphore, #tpu.memory_space<semaphore_mem>> -> memref<1x!tpu.dma_semaphore, #tpu.memory_space<semaphore_mem>>
      %dma_wait3A_236 = tpu.memref_squeeze %dma_wait3A_235 : memref<1x!tpu.dma_semaphore, #tpu.memory_space<semaphore_mem>> -> memref<!tpu.dma_semaphore, #tpu.memory_space<semaphore_mem>>
      %dma_wait3A_237 = arith.constant 128 : i32
      %dma_wait3A_238 = arith.constant 0 : i32
      %dma_wait3A_239 = tpu.memref_slice %arg5[%add3A_225, %dma_wait3A_237, %dma_wait3A_238] : memref<4096x200x128xf32, #tpu.memory_space<hbm>> -> memref<1x72x64xf32, #tpu.memory_space<hbm>>
      %dma_wait3A_240 = tpu.memref_squeeze %dma_wait3A_239 : memref<1x72x64xf32, #tpu.memory_space<hbm>> -> memref<72x64xf32, #tpu.memory_space<hbm>>
      %dma_wait3A_241 = arith.constant 0 : i32
      %dma_wait3A_242 = arith.constant 0 : i32
      %dma_wait3A_243 = tpu.memref_slice %arg8[%dma_wait3A, %dma_wait3A_241, %dma_wait3A_242] : memref<8x128x64xf32, #tpu.memory_space<vmem>> -> memref<1x72x64xf32, #tpu.memory_space<vmem>>
      %dma_wait3A_244 = tpu.memref_squeeze %dma_wait3A_243 : memref<1x72x64xf32, #tpu.memory_space<vmem>> -> memref<72x64xf32, #tpu.memory_space<vmem>>
      tpu.wait_dma2 semaphore(%dma_wait3A_236 : memref<!tpu.dma_semaphore, #tpu.memory_space<semaphore_mem>>) src(%dma_wait3A_244 : memref<72x64xf32, #tpu.memory_space<vmem>>) dst(%dma_wait3A_240 : memref<72x64xf32, #tpu.memory_space<hbm>>)
    } else {
    }
    %div3A_193 = arith.constant 254 : i32
    %div3A_194 = arith.constant 2 : i32
    %div3A_195 = arith.divsi %div3A_193, %div3A_194 : i32
    %rem3A_196 = arith.constant 254 : i32
    %rem3A_197 = arith.constant 2 : i32
    %rem3A_198 = arith.remsi %rem3A_196, %rem3A_197 : i32
    %eq3A_199 = arith.constant 0 : i32
    %eq3A_200 = arith.cmpi eq, %rem3A_198, %eq3A_199 : i32
    %convert_element_type3A_201 = arith.extui %eq3A_200 : i1 to i32
    %cond3A_202 = arith.constant 0 : i32
    %cond3A_203 = arith.cmpi ne, %convert_element_type3A_201, %cond3A_202 : i32
    scf.if %cond3A_203 {
      %add3A_225 = arith.addi %mul3A_2, %div3A_195 : i32
      %dma_wait3A = arith.constant 6 : i32
      %dma_wait3A_226 = arith.constant 6 : i32
      %dma_wait3A_227 = arith.constant 0 : i32
      %dma_wait3A_228 = arith.constant 0 : i32
      %dma_wait3A_229 = tpu.memref_slice %arg8[%dma_wait3A, %dma_wait3A_227, %dma_wait3A_228] : memref<8x128x64xf32, #tpu.memory_space<vmem>> -> memref<1x128x64xf32, #tpu.memory_space<vmem>>
      %dma_wait3A_230 = tpu.memref_squeeze %dma_wait3A_229 : memref<1x128x64xf32, #tpu.memory_space<vmem>> -> memref<128x64xf32, #tpu.memory_space<vmem>>
      %dma_wait3A_231 = arith.constant 0 : i32
      %dma_wait3A_232 = arith.constant 0 : i32
      %dma_wait3A_233 = tpu.memref_slice %arg5[%add3A_225, %dma_wait3A_231, %dma_wait3A_232] : memref<4096x200x128xf32, #tpu.memory_space<hbm>> -> memref<1x128x64xf32, #tpu.memory_space<hbm>>
      %dma_wait3A_234 = tpu.memref_squeeze %dma_wait3A_233 : memref<1x128x64xf32, #tpu.memory_space<hbm>> -> memref<128x64xf32, #tpu.memory_space<hbm>>
      %dma_wait3A_235 = tpu.memref_slice %arg10[%dma_wait3A_226] : memref<8x!tpu.dma_semaphore, #tpu.memory_space<semaphore_mem>> -> memref<1x!tpu.dma_semaphore, #tpu.memory_space<semaphore_mem>>
      %dma_wait3A_236 = tpu.memref_squeeze %dma_wait3A_235 : memref<1x!tpu.dma_semaphore, #tpu.memory_space<semaphore_mem>> -> memref<!tpu.dma_semaphore, #tpu.memory_space<semaphore_mem>>
      %dma_wait3A_237 = arith.constant 0 : i32
      %dma_wait3A_238 = arith.constant 0 : i32
      %dma_wait3A_239 = tpu.memref_slice %arg5[%add3A_225, %dma_wait3A_237, %dma_wait3A_238] : memref<4096x200x128xf32, #tpu.memory_space<hbm>> -> memref<1x128x64xf32, #tpu.memory_space<hbm>>
      %dma_wait3A_240 = tpu.memref_squeeze %dma_wait3A_239 : memref<1x128x64xf32, #tpu.memory_space<hbm>> -> memref<128x64xf32, #tpu.memory_space<hbm>>
      %dma_wait3A_241 = arith.constant 0 : i32
      %dma_wait3A_242 = arith.constant 0 : i32
      %dma_wait3A_243 = tpu.memref_slice %arg8[%dma_wait3A, %dma_wait3A_241, %dma_wait3A_242] : memref<8x128x64xf32, #tpu.memory_space<vmem>> -> memref<1x128x64xf32, #tpu.memory_space<vmem>>
      %dma_wait3A_244 = tpu.memref_squeeze %dma_wait3A_243 : memref<1x128x64xf32, #tpu.memory_space<vmem>> -> memref<128x64xf32, #tpu.memory_space<vmem>>
      tpu.wait_dma2 semaphore(%dma_wait3A_236 : memref<!tpu.dma_semaphore, #tpu.memory_space<semaphore_mem>>) src(%dma_wait3A_244 : memref<128x64xf32, #tpu.memory_space<vmem>>) dst(%dma_wait3A_240 : memref<128x64xf32, #tpu.memory_space<hbm>>)
    } else {
    }
    %not3A_204 = arith.constant true
    %not3A_205 = arith.xori %eq3A_200, %not3A_204 : i1
    %convert_element_type3A_206 = arith.extui %not3A_205 : i1 to i32
    %cond3A_207 = arith.constant 0 : i32
    %cond3A_208 = arith.cmpi ne, %convert_element_type3A_206, %cond3A_207 : i32
    scf.if %cond3A_208 {
      %add3A_225 = arith.addi %mul3A_2, %div3A_195 : i32
      %dma_wait3A = arith.constant 6 : i32
      %dma_wait3A_226 = arith.constant 6 : i32
      %dma_wait3A_227 = arith.constant 0 : i32
      %dma_wait3A_228 = arith.constant 0 : i32
      %dma_wait3A_229 = tpu.memref_slice %arg8[%dma_wait3A, %dma_wait3A_227, %dma_wait3A_228] : memref<8x128x64xf32, #tpu.memory_space<vmem>> -> memref<1x72x64xf32, #tpu.memory_space<vmem>>
      %dma_wait3A_230 = tpu.memref_squeeze %dma_wait3A_229 : memref<1x72x64xf32, #tpu.memory_space<vmem>> -> memref<72x64xf32, #tpu.memory_space<vmem>>
      %dma_wait3A_231 = arith.constant 128 : i32
      %dma_wait3A_232 = arith.constant 0 : i32
      %dma_wait3A_233 = tpu.memref_slice %arg5[%add3A_225, %dma_wait3A_231, %dma_wait3A_232] : memref<4096x200x128xf32, #tpu.memory_space<hbm>> -> memref<1x72x64xf32, #tpu.memory_space<hbm>>
      %dma_wait3A_234 = tpu.memref_squeeze %dma_wait3A_233 : memref<1x72x64xf32, #tpu.memory_space<hbm>> -> memref<72x64xf32, #tpu.memory_space<hbm>>
      %dma_wait3A_235 = tpu.memref_slice %arg10[%dma_wait3A_226] : memref<8x!tpu.dma_semaphore, #tpu.memory_space<semaphore_mem>> -> memref<1x!tpu.dma_semaphore, #tpu.memory_space<semaphore_mem>>
      %dma_wait3A_236 = tpu.memref_squeeze %dma_wait3A_235 : memref<1x!tpu.dma_semaphore, #tpu.memory_space<semaphore_mem>> -> memref<!tpu.dma_semaphore, #tpu.memory_space<semaphore_mem>>
      %dma_wait3A_237 = arith.constant 128 : i32
      %dma_wait3A_238 = arith.constant 0 : i32
      %dma_wait3A_239 = tpu.memref_slice %arg5[%add3A_225, %dma_wait3A_237, %dma_wait3A_238] : memref<4096x200x128xf32, #tpu.memory_space<hbm>> -> memref<1x72x64xf32, #tpu.memory_space<hbm>>
      %dma_wait3A_240 = tpu.memref_squeeze %dma_wait3A_239 : memref<1x72x64xf32, #tpu.memory_space<hbm>> -> memref<72x64xf32, #tpu.memory_space<hbm>>
      %dma_wait3A_241 = arith.constant 0 : i32
      %dma_wait3A_242 = arith.constant 0 : i32
      %dma_wait3A_243 = tpu.memref_slice %arg8[%dma_wait3A, %dma_wait3A_241, %dma_wait3A_242] : memref<8x128x64xf32, #tpu.memory_space<vmem>> -> memref<1x72x64xf32, #tpu.memory_space<vmem>>
      %dma_wait3A_244 = tpu.memref_squeeze %dma_wait3A_243 : memref<1x72x64xf32, #tpu.memory_space<vmem>> -> memref<72x64xf32, #tpu.memory_space<vmem>>
      tpu.wait_dma2 semaphore(%dma_wait3A_236 : memref<!tpu.dma_semaphore, #tpu.memory_space<semaphore_mem>>) src(%dma_wait3A_244 : memref<72x64xf32, #tpu.memory_space<vmem>>) dst(%dma_wait3A_240 : memref<72x64xf32, #tpu.memory_space<hbm>>)
    } else {
    }
    %div3A_209 = arith.constant 255 : i32
    %div3A_210 = arith.constant 2 : i32
    %div3A_211 = arith.divsi %div3A_209, %div3A_210 : i32
    %rem3A_212 = arith.constant 255 : i32
    %rem3A_213 = arith.constant 2 : i32
    %rem3A_214 = arith.remsi %rem3A_212, %rem3A_213 : i32
    %eq3A_215 = arith.constant 0 : i32
    %eq3A_216 = arith.cmpi eq, %rem3A_214, %eq3A_215 : i32
    %convert_element_type3A_217 = arith.extui %eq3A_216 : i1 to i32
    %cond3A_218 = arith.constant 0 : i32
    %cond3A_219 = arith.cmpi ne, %convert_element_type3A_217, %cond3A_218 : i32
    scf.if %cond3A_219 {
      %add3A_225 = arith.addi %mul3A_2, %div3A_211 : i32
      %dma_wait3A = arith.constant 7 : i32
      %dma_wait3A_226 = arith.constant 7 : i32
      %dma_wait3A_227 = arith.constant 0 : i32
      %dma_wait3A_228 = arith.constant 0 : i32
      %dma_wait3A_229 = tpu.memref_slice %arg8[%dma_wait3A, %dma_wait3A_227, %dma_wait3A_228] : memref<8x128x64xf32, #tpu.memory_space<vmem>> -> memref<1x128x64xf32, #tpu.memory_space<vmem>>
      %dma_wait3A_230 = tpu.memref_squeeze %dma_wait3A_229 : memref<1x128x64xf32, #tpu.memory_space<vmem>> -> memref<128x64xf32, #tpu.memory_space<vmem>>
      %dma_wait3A_231 = arith.constant 0 : i32
      %dma_wait3A_232 = arith.constant 0 : i32
      %dma_wait3A_233 = tpu.memref_slice %arg5[%add3A_225, %dma_wait3A_231, %dma_wait3A_232] : memref<4096x200x128xf32, #tpu.memory_space<hbm>> -> memref<1x128x64xf32, #tpu.memory_space<hbm>>
      %dma_wait3A_234 = tpu.memref_squeeze %dma_wait3A_233 : memref<1x128x64xf32, #tpu.memory_space<hbm>> -> memref<128x64xf32, #tpu.memory_space<hbm>>
      %dma_wait3A_235 = tpu.memref_slice %arg10[%dma_wait3A_226] : memref<8x!tpu.dma_semaphore, #tpu.memory_space<semaphore_mem>> -> memref<1x!tpu.dma_semaphore, #tpu.memory_space<semaphore_mem>>
      %dma_wait3A_236 = tpu.memref_squeeze %dma_wait3A_235 : memref<1x!tpu.dma_semaphore, #tpu.memory_space<semaphore_mem>> -> memref<!tpu.dma_semaphore, #tpu.memory_space<semaphore_mem>>
      %dma_wait3A_237 = arith.constant 0 : i32
      %dma_wait3A_238 = arith.constant 0 : i32
      %dma_wait3A_239 = tpu.memref_slice %arg5[%add3A_225, %dma_wait3A_237, %dma_wait3A_238] : memref<4096x200x128xf32, #tpu.memory_space<hbm>> -> memref<1x128x64xf32, #tpu.memory_space<hbm>>
      %dma_wait3A_240 = tpu.memref_squeeze %dma_wait3A_239 : memref<1x128x64xf32, #tpu.memory_space<hbm>> -> memref<128x64xf32, #tpu.memory_space<hbm>>
      %dma_wait3A_241 = arith.constant 0 : i32
      %dma_wait3A_242 = arith.constant 0 : i32
      %dma_wait3A_243 = tpu.memref_slice %arg8[%dma_wait3A, %dma_wait3A_241, %dma_wait3A_242] : memref<8x128x64xf32, #tpu.memory_space<vmem>> -> memref<1x128x64xf32, #tpu.memory_space<vmem>>
      %dma_wait3A_244 = tpu.memref_squeeze %dma_wait3A_243 : memref<1x128x64xf32, #tpu.memory_space<vmem>> -> memref<128x64xf32, #tpu.memory_space<vmem>>
      tpu.wait_dma2 semaphore(%dma_wait3A_236 : memref<!tpu.dma_semaphore, #tpu.memory_space<semaphore_mem>>) src(%dma_wait3A_244 : memref<128x64xf32, #tpu.memory_space<vmem>>) dst(%dma_wait3A_240 : memref<128x64xf32, #tpu.memory_space<hbm>>)
    } else {
    }
    %not3A_220 = arith.constant true
    %not3A_221 = arith.xori %eq3A_216, %not3A_220 : i1
    %convert_element_type3A_222 = arith.extui %not3A_221 : i1 to i32
    %cond3A_223 = arith.constant 0 : i32
    %cond3A_224 = arith.cmpi ne, %convert_element_type3A_222, %cond3A_223 : i32
    scf.if %cond3A_224 {
      %add3A_225 = arith.addi %mul3A_2, %div3A_211 : i32
      %dma_wait3A = arith.constant 7 : i32
      %dma_wait3A_226 = arith.constant 7 : i32
      %dma_wait3A_227 = arith.constant 0 : i32
      %dma_wait3A_228 = arith.constant 0 : i32
      %dma_wait3A_229 = tpu.memref_slice %arg8[%dma_wait3A, %dma_wait3A_227, %dma_wait3A_228] : memref<8x128x64xf32, #tpu.memory_space<vmem>> -> memref<1x72x64xf32, #tpu.memory_space<vmem>>
      %dma_wait3A_230 = tpu.memref_squeeze %dma_wait3A_229 : memref<1x72x64xf32, #tpu.memory_space<vmem>> -> memref<72x64xf32, #tpu.memory_space<vmem>>
      %dma_wait3A_231 = arith.constant 128 : i32
      %dma_wait3A_232 = arith.constant 0 : i32
      %dma_wait3A_233 = tpu.memref_slice %arg5[%add3A_225, %dma_wait3A_231, %dma_wait3A_232] : memref<4096x200x128xf32, #tpu.memory_space<hbm>> -> memref<1x72x64xf32, #tpu.memory_space<hbm>>
      %dma_wait3A_234 = tpu.memref_squeeze %dma_wait3A_233 : memref<1x72x64xf32, #tpu.memory_space<hbm>> -> memref<72x64xf32, #tpu.memory_space<hbm>>
      %dma_wait3A_235 = tpu.memref_slice %arg10[%dma_wait3A_226] : memref<8x!tpu.dma_semaphore, #tpu.memory_space<semaphore_mem>> -> memref<1x!tpu.dma_semaphore, #tpu.memory_space<semaphore_mem>>
      %dma_wait3A_236 = tpu.memref_squeeze %dma_wait3A_235 : memref<1x!tpu.dma_semaphore, #tpu.memory_space<semaphore_mem>> -> memref<!tpu.dma_semaphore, #tpu.memory_space<semaphore_mem>>
      %dma_wait3A_237 = arith.constant 128 : i32
      %dma_wait3A_238 = arith.constant 0 : i32
      %dma_wait3A_239 = tpu.memref_slice %arg5[%add3A_225, %dma_wait3A_237, %dma_wait3A_238] : memref<4096x200x128xf32, #tpu.memory_space<hbm>> -> memref<1x72x64xf32, #tpu.memory_space<hbm>>
      %dma_wait3A_240 = tpu.memref_squeeze %dma_wait3A_239 : memref<1x72x64xf32, #tpu.memory_space<hbm>> -> memref<72x64xf32, #tpu.memory_space<hbm>>
      %dma_wait3A_241 = arith.constant 0 : i32
      %dma_wait3A_242 = arith.constant 0 : i32
      %dma_wait3A_243 = tpu.memref_slice %arg8[%dma_wait3A, %dma_wait3A_241, %dma_wait3A_242] : memref<8x128x64xf32, #tpu.memory_space<vmem>> -> memref<1x72x64xf32, #tpu.memory_space<vmem>>
      %dma_wait3A_244 = tpu.memref_squeeze %dma_wait3A_243 : memref<1x72x64xf32, #tpu.memory_space<vmem>> -> memref<72x64xf32, #tpu.memory_space<vmem>>
      tpu.wait_dma2 semaphore(%dma_wait3A_236 : memref<!tpu.dma_semaphore, #tpu.memory_space<semaphore_mem>>) src(%dma_wait3A_244 : memref<72x64xf32, #tpu.memory_space<vmem>>) dst(%dma_wait3A_240 : memref<72x64xf32, #tpu.memory_space<hbm>>)
    } else {
    }
    return
  }
}

</mosaic_0001>

<sc_bundles>
// kernel: kernel.3.cloned.1.call-start
scs
__scs_entry_jumppad:
0x0: {  	(pc) =	sbr.rel $0x88, $3  }
0x1: {  	(tag) =	ssettag $0x0;
	lr =	simm.s32 $0x1  }
0x2: {  	[smem:$0x3F9F] =	sst lr;
	_ =	strace $0xD0000000  }
0x3: {  	_ = 	snop  }
0x4: {  	_ = 	snop  }
0x5: {  	_ = 	snop  }
0x6: {  	_ = 	snop  }
0x7: {  	_ = 	snop  }
__scs_overlays_trampoline_lowered:
0x8: {  	[smem:$0x3FAE] =	sst s0  }
0x9: {  	[smem:$0x3FAF] =	sst s1  }
0xa: {  	[smem:$0x3FB0] =	sst s2  }
0xb: {  	[smem:$0x3FB1] =	sst s3  }
0xc: {  	[smem:$0x3FB2] =	sst s4  }
0xd: {  	[smem:$0x3FB3] =	sst s5  }
0xe: {  	[smem:$0x3FB4] =	sst s6  }
0xf: {  	[smem:$0x3FB5] =	sst s7  }
0x10: {  	[smem:$0x3FB6] =	sst s8  }
0x11: {  	[smem:$0x3FB7] =	sst s9;
	s0 =	simm.s32 @!p0 $0x0  }
0x12: {  	s1 =	sld [smem:$0x3F9D];
	s0 =	simm.s32 @p0 $0x1  }
0x13: {  	[smem:$0x3FB8] =	sst s0;
	s0 =	simm.s32 @!p1 $0x0  }
0x14: {  	s2 =	sld [smem:$0x3F9C];
	s0 =	simm.s32 @p1 $0x1  }
0x15: {  	[smem:$0x3FB9] =	sst s0;
	s0 =	simm.s32 @!p2 $0x0  }
0x16: {  	s3 =	sld [smem:$0x3FDB];
	s0 =	simm.s32 @p2 $0x1  }
0x17: {  	s4 =	simm.s32 $0x1BF5;
	[smem:$0x3FBB] =	sst s0  }
0x18: {  	s0 =	sld [smem:$0x3F9E];
	_ =	swait.ge [sflag:s4], $0x0  }
0x19: {  	s7 =	sld [smem:$0x3F9F]  }
0x1a: {  	s8 =	sadd.s32 $0xFFFFE003, lr  }
0x1b: {  	s9 =	sadd.s32 $0xFFFFFEF7, lr;
	s5 =	simm.s32 $0xFFFFFFFF;
	p2 =	slt.u32 s8, $0xFFFFF086  }
0x1c: {  	p1 =	slt.u32 s9, $0xF7A;
	s5 =	simm.s32 @!p2 $0x0  }
0x1d: {  	s5 =	simm.s32 @p1 $0x1;
	p0 =	seq.s32 s7, s2  }
0x1e: {  	s7 =	smul.u32 @!p0 $0xF7A, s2;
	p2 =	seq.s32 @!p0 s5, $0x0  }
0x1f: {  	s9 =	smul.u32 $0xF7A, s1;
	s8 =	simm.s32 @!p0 $0x1BF5;
	p2 =	por !p2, p0  }
0x20: {  	[sflag:s8] =	ssyncset.s32 @!p0 $0xFFFFF086;
	s6 =	sadd.s32 @!p0 s3, s7;
	s7 =	simm.s32 @!p0 $0x108  }
0x21: {  	s3 =	sadd.s32 s3, s9;
	s6 =	sadd.s32 @!p0 $0x88, s6;
	s7 =	simm.s32 @p2 $0x1082  }
0x22: {  	[simem:s7], [sflag:s8] =	dma.local @!p0 [hbm:s6], $0xF7A  }
0x23: {  	s9 =	sor.u32 $0xD0000000, s2;
	s6 =	simm.s32 $0x108;
	_ =	swait.ge @!p0 [sflag:s8], $0x0  }
0x24: {  	s3 =	sadd.s32 $0x88, s3;
	s6 =	simm.s32 @!p1 $0x1082;
	[sflag:s4] =	ssyncset.s32 $0xFFFFF086  }
0x25: {  	[simem:s6], [sflag:s4] =	dma.local [hbm:s3], $0xF7A  }
0x26: {  	[smem:$0x3F9F] =	sst s1;
	(tag) =	ssettag s2;
	_ =	strace s9  }
0x27: {  	s1 =	sld [smem:$0x3FAF]  }
0x28: {  	s2 =	sld [smem:$0x3FB0]  }
0x29: {  	s4 =	sld [smem:$0x3FB2]  }
0x2a: {  	p0 =	seq.s32 s5, $0x0;
	s5 =	sld [smem:$0x3FB3]  }
0x2b: {  	s6 =	sld [smem:$0x3FB4]  }
0x2c: {  	s7 =	sld [smem:$0x3FB5]  }
0x2d: {  	s3 =	simm.s32 $0x108;
	s8 =	sld [smem:$0x3FB6]  }
0x2e: {  	s3 =	simm.s32 @!p0 $0x1082;
	s9 =	sld [smem:$0x3FB7]  }
0x2f: {  	lr =	sadd.s32 s0, s3;
	s0 =	sld [smem:$0x3FAE]  }
0x30: {  	s3 =	sld [smem:$0x3FB1]  }
0x31: {  	[smem:$0x3FBA] =	sst s10  }
0x32: {  	s10 =	sld [smem:$0x3FB8];
	_ =	sdelay $0x3  }
0x33: {  	p0 =	seq.s32 s10, $0x1;
	s10 =	sld [smem:$0x3FBA];
	_ =	sdelay $0x3  }
0x34: {  	[smem:$0x3FBA] =	sst s10  }
0x35: {  	s10 =	sld [smem:$0x3FB9];
	_ =	sdelay $0x3  }
0x36: {  	p1 =	seq.s32 s10, $0x1;
	s10 =	sld [smem:$0x3FBA];
	_ =	sdelay $0x3  }
0x37: {  	[smem:$0x3FBA] =	sst s10  }
0x38: {  	s10 =	sld [smem:$0x3FBB]  }
0x39: {  	_ = 	snop;
	(pc) =	sbr.ind lr, $3  }
0x3a: {  	_ = 	snop  }
0x3b: {  	_ = 	snop  }
0x3c: {  	p2 =	seq.s32 s10, $0x1;
	s10 =	sld [smem:$0x3FBA]  }
0x3d: {  	_ =	shalt  }
0x3e: {  	_ =	shalt  }
0x3f: {  	_ =	shalt  }
0x40: {  	_ =	shalt  }
0x41: {  	_ =	shalt  }
0x42: {  	_ =	shalt  }
0x43: {  	_ =	shalt  }
0x44: {  	_ =	shalt  }
0x45: {  	_ =	shalt  }
0x46: {  	_ =	shalt  }
0x47: {  	_ =	shalt  }
0x48: {  	_ =	shalt  }
0x49: {  	_ =	shalt  }
0x4a: {  	_ =	shalt  }
0x4b: {  	_ =	shalt  }
0x4c: {  	_ =	shalt  }
0x4d: {  	_ =	shalt  }
0x4e: {  	_ =	shalt  }
0x4f: {  	_ =	shalt  }
0x50: {  	_ =	shalt  }
0x51: {  	_ =	shalt  }
0x52: {  	_ =	shalt  }
0x53: {  	_ =	shalt  }
0x54: {  	_ =	shalt  }
0x55: {  	_ =	shalt  }
0x56: {  	_ =	shalt  }
0x57: {  	_ =	shalt  }
0x58: {  	_ =	shalt  }
0x59: {  	_ =	shalt  }
0x5a: {  	_ =	shalt  }
0x5b: {  	_ =	shalt  }
0x5c: {  	_ =	shalt  }
0x5d: {  	_ =	shalt  }
0x5e: {  	_ =	shalt  }
0x5f: {  	_ =	shalt  }
0x60: {  	_ =	shalt  }
0x61: {  	_ =	shalt  }
0x62: {  	_ =	shalt  }
0x63: {  	_ =	shalt  }
0x64: {  	_ =	shalt  }
0x65: {  	_ =	shalt  }
0x66: {  	_ =	shalt  }
0x67: {  	_ =	shalt  }
0x68: {  	_ =	shalt  }
0x69: {  	_ =	shalt  }
0x6a: {  	_ =	shalt  }
0x6b: {  	_ =	shalt  }
0x6c: {  	_ =	shalt  }
0x6d: {  	_ =	shalt  }
0x6e: {  	_ =	shalt  }
0x6f: {  	_ =	shalt  }
0x70: {  	_ =	shalt  }
0x71: {  	_ =	shalt  }
0x72: {  	_ =	shalt  }
0x73: {  	_ =	shalt  }
0x74: {  	_ =	shalt  }
0x75: {  	_ =	shalt  }
0x76: {  	_ =	shalt  }
0x77: {  	_ =	shalt  }
0x78: {  	_ =	shalt  }
0x79: {  	_ =	shalt  }
0x7a: {  	_ =	shalt  }
0x7b: {  	_ =	shalt  }
0x7c: {  	_ =	shalt  }
0x7d: {  	_ =	shalt  }
0x7e: {  	_ =	shalt  }
0x7f: {  	_ =	shalt  }
0x80: {  	_ =	shalt  }
0x81: {  	_ =	shalt  }
0x82: {  	_ =	shalt  }
0x83: {  	_ =	shalt  }
0x84: {  	_ =	shalt  }
0x85: {  	_ =	shalt  }
0x86: {  	_ =	shalt  }
0x87: {  	_ =	shalt  }
.Lfunc_end0:
.L_simem_size_0:
called_computation.1_lowered:
.L_overlay_start_0:
0x88: {  	s2 =	sld [smem:$0x3FD9]  }
0x89: {  	s3 =	sld [smem:$0x3FFE];
	_ =	sdelay $0x1  }
0x8a: {  	s1 =	srdreg.scid  }
0x8b: {  	s0 =	sand.u32 $0x1, s1  }
0x8c: {  	s17 =	sshll.u32 s0, $0xA;
	s2 =	sadd.s32 s3, s2  }
0x8d: {  	s2 =	sadd.s32 s2, s17  }
0x8e: {  	[smem:$0x3FC6] =	sst s2  }
0x8f: {  	_ = 	snop  }
0x90: {  	s2 =	sld [smem:$0x3FD0];
	(tm) =	ssettm $0x1  }
0x91: {  	s18 =	sld [smem:$0x3FFB];
	_ =	sdelay $0x3  }
0x92: {  	_ =	strace s18  }
0x93: {  	s3 =	sld [smem:$0x3FFC];
	_ =	sdelay $0x3  }
0x94: {  	_ =	strace s3  }
0x95: {  	s3 =	sld [smem:$0x3FFD];
	_ =	sdelay $0x3  }
0x96: {  	_ =	strace s3  }
0x97: {  	_ =	strace $0x8FFFFFFF  }
0x98: {  	s19 =	sld [smem:$0x3FDB];
	_ =	sdelay $0x1  }
0x99: {  	s4 =	simm.s32 $_scs_section_size  }
0x9a: {  	s5 =	simm.s32 $_size__tile_overlayer_lowered;
	s6 =	simm.s32 $_tile_overlayer_lowered  }
0x9b: {  	s22 =	simm.s32 $0x1BFF;
	s21 =	sshll.u32 s6, $0x1;
	s3 =	sadd.s32 s4, s19  }
0x9c: {  	s7 =	simm.s32 $0x0;
	s20 =	sshll.u32 s5, $0x1;
	s5 =	sadd.s32 s21, s3  }
0x9d: {  	[timem:s7], [sflag:s22] =	dma.local [hbm:s5], s20  }
0x9e: {  	_ =	swait.ge [sflag:s22], s20  }
0x9f: {  	s4 =	ssub.s32 $0x0, s20;
	[sflag:s22] =	ssyncset.done $0x0  }
0xa0: {  	[sflag:s22] =	ssyncadd.s32 s4;
	_ =	sdelay $0x1  }
0xa1: {  	s23 =	simm.s32 $0x1B8B  }
0xa2: {  	_ =	swait.ge [sflag:s23], $0x1  }
0xa3: {  	[sflag:s23] =	ssyncset.done $0x0  }
0xa4: {  	s25 =	simm.s32 $0x1B8E;
	s24 =	sld [smem:$0x3FFE];
	[sflag:s23] =	ssyncadd.s32 $0xFFFFFFFF  }
0xa5: {  	s26 =	simm.s32 $execute0_lowered;
	[smem:$0x3FD2] =	sst s25  }
0xa6: {  	s5 =	sshll.u32 s26, $0x1;
	_ =	strace $0x80000046;
	[dreg:$0x1] =	wrdreg $0xFFFFFFFF  }
0xa7: {  	s28 =	simm.s32 $_size_execute0_lowered;
	s3 =	sadd.s32 s3, s5;
	[dreg:$0x0] =	wrdreg $0x0  }
0xa8: {  	s5 =	sshll.u32 s28, $0x1;
	[dreg:$0x2] =	wrdreg s3  }
0xa9: {  	[dreg:$0x3] =	wrdreg s5  }
0xaa: {  	[dreg:$0x4] =	wrdreg $0xC0  }
0xab: {  	_ =	task [dreg:s7], $0x5FFFF  }
0xac: {  	[dreg:$0x1] =	wrdreg $0xFFFFFFFF  }
0xad: {  	[dreg:$0x0] =	wrdreg $0x60  }
0xae: {  	[dreg:$0x2] =	wrdreg s24  }
0xaf: {  	[dreg:$0x3] =	wrdreg s2  }
0xb0: {  	[dreg:$0x4] =	wrdreg $0x9  }
0xb1: {  	_ =	task.clear_ibuf [dreg:s7], $0x5FFFF;
	_ =	strace $0x90000046  }
0xb2: {  	s29 =	simm.s32 $0x9;
	_ =	strace $0x80000048  }
0xb3: {  	_ =	swait.ge [sflag:s29], $0x1  }
0xb4: {  	[sflag:s29] =	ssyncadd.s32 $0xFFFFFFFF  }
0xb5: {  	_ =	strace $0x90000048  }
0xb6: {  	_ =	sfence  }
0xb7: {  	s30 =	sld [smem:$0x0];
	_ =	sdelay $0x2  }
0xb8: {  	s31 =	sshll.u32 s1, $0xD;
	s1 =	sshrl.u32 s1, $0x2  }
0xb9: {  	s3 =	sand.u32 $0x4000, s31;
	s1 =	sadd.s32 s1, s30  }
0xba: {  	s0 =	sor.u32 s3, s0;
	s1 =	sshll.u32 s1, $0x11  }
0xbb: {  	s0 =	sor.u32 s1, s0  }
0xbc: {  	s0 =	sadd.s32 $0x8F2B, s0  }
0xbd: {  	[sflag:s0] =	ssyncadd.remote.s32 $0x1  }
0xbe: {  	_ =	sfence.sel $0xFFFF  }
0xbf: {  	[dreg:$0x0] =	wrdreg $0xFFFFFFFF;
	(pc) =	sbr.abs _section_cstart, $3  }
0xc0: {  	[dreg:$0x1] =	wrdreg $0xFFFFFFFF  }
0xc1: {  	_ =	task.clear_ibuf [dreg:s7], $0x2FFFF;
	_ =	strace $0x9FFFFFFF  }
0xc2: {  	(tm) =	ssettm $0x7FFFFFFF  }
0xc3: {  	_ =	shalt  }
tec
execute0_lowered:
.L_overlay_start_1:
0x0: {  	(tag) =	ssettag $0x1  }
0x1: {  	s0 =	srdreg.scid;
	s1 =	rddreg [dreg:$0x0]  }
0x2: {  	s2 =	stileid.u32;
	s6 =	rddreg [dreg:$0x1]  }
0x3: {  	s10 =	simm.s32 $0x11;
	s11 =	simm.s32 $0x4000;
	s12 =	simm.s32 $0x80  }
0x4: {  	s13 =	simm.s32 $0x6400;
	s14 =	simm.s32 $0x48;
	s23 =	simm.s32 $0x180  }
0x5: {  	s24 =	simm.s32 $0x12400;
	s28 =	simm.s32 $0x9;
	s29 =	simm.s32 $0xA  }
0x6: {  	s30 =	simm.s32 $0xB;
	s31 =	simm.s32 $0xC;
	s15 =	simm.s32 $0xF  }
0x7: {  	s16 =	simm.s32 $0x10;
	s17 =	simm.s32 $0x0;
	s0 =	sand.u32 $0x1, s0  }
0x8: {  	s3 =	sshll.u32 s2, $0x8;
	s2 =	simm.s32 $0x0;
	s4 =	sshll.u32 s0, $0x7  }
0x9: {  	[smem:$0x7FF] =	sst s2;
	s0 =	ssub.s32 $0x2, s0;
	s3 =	sor.u32 s4, s3  }
0xa: {  	_ =	strace $0x80000047;
	s25 =	sshrl.u32 s0, $0x1;
	s5 =	smul.u32 $0x9, s3  }
.Ltmp0:
0xb: {  	s4 =	sadd.s32 $0xF43400, s1;
	s0 =	ssub.s32 s0, s25;
	(pc) =	sbr.rel .LBB2_1-.Ltmp0, $4  }
0xc: {  	s26 =	sshll.u32 s3, $0x4;
	s9 =	smul.u32 $0xC80, s3;
	s25 =	simm.s32 $0x1  }
0xd: {  	s6 =	sadd.s32 s6, s26;
	s8 =	smax.u32 s0, $0x1;
	s26 =	simm.s32 $0x40  }
0xe: {  	s0 =	simm.s32 $0xE;
	s7 =	sadd.s32 s5, s1;
	s5 =	sadd.s32 $0xA000, s1  }
0xf: {  	s1 =	simm.s32 $0xD;
	s7 =	sadd.s32 $0x1000, s7;
	s9 =	sadd.s32 s5, s9  }
.LBB2_12:
0x10: {  	_ =	swait.ge [sflag:s28], $0x2000  }
0x11: {  	[sflag:s28] =	ssyncset.done $0x0  }
0x12: {  	[sflag:s28] =	ssyncadd.s32 $0xFFFFE000  }
0x13: {  	_ =	swait.ge [sflag:s29], $0x1200  }
0x14: {  	[sflag:s29] =	ssyncset.done $0x0  }
0x15: {  	[sflag:s29] =	ssyncadd.s32 $0xFFFFEE00  }
0x16: {  	_ =	swait.ge [sflag:s30], $0x2000  }
0x17: {  	[sflag:s30] =	ssyncset.done $0x0  }
0x18: {  	[sflag:s30] =	ssyncadd.s32 $0xFFFFE000  }
0x19: {  	_ =	swait.ge [sflag:s31], $0x1200  }
0x1a: {  	[sflag:s31] =	ssyncset.done $0x0  }
0x1b: {  	[sflag:s31] =	ssyncadd.s32 $0xFFFFEE00  }
0x1c: {  	_ =	swait.ge [sflag:s1], $0x2000  }
0x1d: {  	[sflag:s1] =	ssyncset.done $0x0  }
0x1e: {  	[sflag:s1] =	ssyncadd.s32 $0xFFFFE000  }
0x1f: {  	_ =	swait.ge [sflag:s0], $0x1200  }
0x20: {  	[sflag:s0] =	ssyncset.done $0x0  }
0x21: {  	s17 =	sadd.s32 $0x1, s17;
	[sflag:s0] =	ssyncadd.s32 $0xFFFFEE00  }
0x22: {  	p0 =	sne.s32 s17, s8;
	_ =	swait.ge [sflag:s15], $0x2000  }
.Ltmp1:
0x23: {  	[sflag:s15] =	ssyncset.done $0x0;
	(pc) =	sbr.rel @!p0 .LBB2_13-.Ltmp1, $4  }
0x24: {  	[sflag:s15] =	ssyncadd.s32 $0xFFFFE000  }
0x25: {  	_ =	swait.ge [sflag:s16], $0x1200  }
0x26: {  	[sflag:s16] =	ssyncset.done $0x0  }
0x27: {  	[sflag:s16] =	ssyncadd.s32 $0xFFFFEE00  }
.LBB2_1:
0x28: {  	[tilespmem:s2], [sflag:$0x11] =	stream.linear.gather [hbm4b:s6+s2], $0x4000, $0x38;
	[tilespmem:$0x16400] =	vst v63  }
0x29: {  	_ =	swait.ge [sflag:s10], $0x4000  }
0x2a: {  	[sflag:s10] =	ssyncset.done $0x0  }
0x2b: {  	[sflag:s10] =	ssyncadd.s32 $0xFFFFC000  }
0x2c: {  	[tilespmem:s11], [sflag:$0x11] =	stream.linear.gather [hbm4b:s7+s2], $0x2400, $0x38;
	[tilespmem:$0x16400] =	vst v63  }
0x2d: {  	_ =	swait.ge [sflag:s10], $0x2400  }
0x2e: {  	[sflag:s10] =	ssyncset.done $0x0  }
0x2f: {  	[sflag:s10] =	ssyncadd.s32 $0xFFFFDC00  }
0x30: {  	[tilespmem:s13], [sflag:$0x1] =	stream.indirect.gather [hbm4b:s4+s12], $0x40, s2, s12, $0xb8;
	[tilespmem:$0x16400] =	vst v63  }
0x31: {  	s18 =	simm.s32 $0x8400  }
0x32: {  	[tilespmem:s18], [sflag:$0x2] =	stream.indirect.gather [hbm4b:s4+s14], $0x40, s11, s14, $0xb8;
	[tilespmem:$0x16400] =	vst v63  }
0x33: {  	s21 =	simm.s32 $0xA400  }
0x34: {  	[tilespmem:s21], [sflag:$0x3] =	stream.indirect.gather [hbm4b:s4+s12], $0x40, s12, s12, $0xb8;
	[tilespmem:$0x16400] =	vst v63  }
0x35: {  	s22 =	simm.s32 $0x4048;
	s19 =	simm.s32 $0xC400  }
0x36: {  	[tilespmem:s19], [sflag:$0x4] =	stream.indirect.gather [hbm4b:s4+s14], $0x40, s22, s14, $0xb8;
	[tilespmem:$0x16400] =	vst v63  }
0x37: {  	s20 =	simm.s32 $0xE400;
	s19 =	simm.s32 $0x100  }
0x38: {  	[tilespmem:s20], [sflag:$0x5] =	stream.indirect.gather [hbm4b:s4+s12], $0x40, s19, s12, $0xb8;
	[tilespmem:$0x16400] =	vst v63  }
0x39: {  	s21 =	simm.s32 $0x4090;
	s22 =	simm.s32 $0x10400  }
0x3a: {  	[tilespmem:s22], [sflag:$0x6] =	stream.indirect.gather [hbm4b:s4+s14], $0x40, s21, s14, $0xb8;
	[tilespmem:$0x16400] =	vst v63  }
0x3b: {  	_ = 	snop  }
0x3c: {  	[tilespmem:s24], [sflag:$0x7] =	stream.indirect.gather [hbm4b:s4+s12], $0x40, s23, s12, $0xb8;
	[tilespmem:$0x16400] =	vst v63  }
.Ltmp2:
0x3d: {  	_ = 	snop;
	(pc) =	sbr.rel .LBB2_2-.Ltmp2, $4  }
0x3e: {  	_ =	swait.ge [sflag:s25], $0x2000  }
0x3f: {  	[sflag:s25] =	ssyncset.done $0x0  }
0x40: {  	s18 =	simm.s32 $0x7;
	[sflag:s25] =	ssyncadd.s32 $0xFFFFE000  }
0x41: {  	[hbm4b:s9+s26] =	stream.strided.scatter [tilespmem:s13], [sflag:$0x9], $0x2000, s12, s26, $0x38;
	[tilespmem:$0x16400] =	vst v63  }
.LBB2_5:
0x42: {  	_ =	swait.ge [sflag:s22], $0x2000  }
0x43: {  	[sflag:s22] =	ssyncset.done $0x0  }
0x44: {  	s21 =	sshll.u32 s21, $0x7;
	[sflag:s22] =	ssyncadd.s32 $0xFFFFE000;
	s22 =	sshll.u32 s20, $0xD  }
0x45: {  	s21 =	sand.u32 $0x3FFFFF80, s21;
	s20 =	sadd.s32 $0x1, s20;
	s22 =	sadd.s32 $0x6400, s22  }
0x46: {  	[tilespmem:s22], [sflag:s20] =	stream.indirect.gather [hbm4b:s4+s12], $0x40, s21, s12, $0xb8;
	[tilespmem:$0x16400] =	vst v63  }
0x47: {  	s20 =	sand.u32 $0x6, s19  }
.LBB2_10:
0x48: {  	s21 =	sadd.s32 $0x1, s20;
	s19 =	sshrl.u32 s19, $0x1  }
0x49: {  	_ =	swait.ge [sflag:s21], $0x2000;
	s19 =	sadd.s32 s3, s19  }
0x4a: {  	[sflag:s21] =	ssyncset.done $0x0;
	s19 =	smul.u32 $0xC80, s19  }
0x4b: {  	[sflag:s21] =	ssyncadd.s32 $0xFFFFE000;
	s21 =	sshll.u32 s20, $0xD  }
0x4c: {  	s22 =	sadd.s32 $0x9, s20;
	s19 =	sadd.s32 s5, s19;
	s21 =	sadd.s32 $0x6400, s21  }
0x4d: {  	[hbm4b:s19+s26] =	stream.strided.scatter [tilespmem:s21], [sflag:s22], $0x2000, s12, s26, $0x38;
	[tilespmem:$0x16400] =	vst v63  }
.LBB2_11:
0x4e: {  	s18 =	sadd.s32 $0x1, s18  }
0x4f: {  	p0 =	sne.s32 s18, $0x106  }
.Ltmp3:
0x50: {  	_ = 	snop;
	(pc) =	sbr.rel @!p0 .LBB2_12-.Ltmp3, $1  }
0x51: {  	_ =	sdelay $0x3  }
.LBB2_2:
0x52: {  	s19 =	sadd.s32 $0xFFFFFFFA, s18  }
0x53: {  	p0 =	sgt.u32 s19, $0xF9  }
.Ltmp4:
0x54: {  	_ = 	snop;
	(pc) =	sbr.rel @p0 .LBB2_9-.Ltmp4, $1  }
0x55: {  	_ =	sdelay $0x3  }
0x56: {  	p0 =	slt.u32 s19, $0x2  }
.Ltmp5:
0x57: {  	_ = 	snop;
	(pc) =	sbr.rel @p0 .LBB2_7-.Ltmp5, $2  }
0x58: {  	_ =	sdelay $0x2  }
0x59: {  	s20 =	sand.u32 $0x7, s18;
	s21 =	simm.s32 $0x360  }
0x5a: {  	s21 =	sand.u32 $0x1, s19  }
0x5b: {  	p0 =	seq.s32 s21, $0x1  }
.Ltmp6:
0x5c: {  	_ = 	snop;
	(pc) =	sbr.rel @!p0 .LBB2_5-.Ltmp6, $2  }
0x5d: {  	_ =	sdelay $0x2  }
0x5e: {  	s22 =	sadd.s32 $0x9, s20;
	s21 =	sshrl.u32 s18, $0x1  }
0x5f: {  	_ =	swait.ge [sflag:s22], $0x1200  }
0x60: {  	[sflag:s22] =	ssyncset.done $0x0  }
0x61: {  	s21 =	smul.u32 $0x120, s21;
	[sflag:s22] =	ssyncadd.s32 $0xFFFFEE00  }
.LBB2_7:
.Ltmp7:
0x62: {  	_ = 	snop;
	(pc) =	sbr.rel .LBB2_8-.Ltmp7, $4  }
0x63: {  	s22 =	sshll.u32 s20, $0xD;
	s21 =	sshra.s32 s21, $0x2  }
0x64: {  	s20 =	sadd.s32 $0x1, s20;
	s22 =	sadd.s32 $0x6400, s22;
	s21 =	sadd.s32 $0x4000, s21  }
0x65: {  	[tilespmem:s22], [sflag:s20] =	stream.indirect.gather [hbm4b:s4+s14], $0x40, s21, s14, $0xb8;
	[tilespmem:$0x16400] =	vst v63  }
0x66: {  	s20 =	sand.u32 $0x7, s19  }
.LBB2_9:
0x67: {  	s20 =	sand.u32 $0x1, s19  }
0x68: {  	p0 =	seq.s32 s20, $0x1  }
.Ltmp8:
0x69: {  	_ = 	snop;
	(pc) =	sbr.rel @!p0 .LBB2_10-.Ltmp8, $2  }
0x6a: {  	_ =	sdelay $0x2  }
0x6b: {  	s20 =	sand.u32 $0x7, s19  }
.LBB2_8:
0x6c: {  	s19 =	sshrl.u32 s19, $0x1  }
0x6d: {  	s19 =	sadd.s32 s3, s19  }
0x6e: {  	s21 =	sadd.s32 $0x1, s20;
	s19 =	smul.u32 $0x6400, s19  }
.Ltmp9:
0x6f: {  	_ =	swait.ge [sflag:s21], $0x1200;
	(pc) =	sbr.rel .LBB2_11-.Ltmp9, $4  }
0x70: {  	[sflag:s21] =	ssyncset.done $0x0;
	s19 =	sshrl.u32 s19, $0x3  }
0x71: {  	[sflag:s21] =	ssyncadd.s32 $0xFFFFEE00;
	s21 =	sshll.u32 s20, $0xD;
	s19 =	sadd.s32 s5, s19  }
0x72: {  	s22 =	sadd.s32 $0x9, s20;
	s21 =	sadd.s32 $0x6400, s21;
	s19 =	sadd.s32 $0x800, s19  }
0x73: {  	[hbm4b:s19+s26] =	stream.strided.scatter [tilespmem:s21], [sflag:s22], $0x1200, s12, s26, $0x38;
	[tilespmem:$0x16400] =	vst v63  }
.LBB2_13:
0x74: {  	_ =	sfence.sel $0x180000  }
0x75: {  	[bflag:$0x0] =	sbarrier.arrive $0xFFFF  }
0x76: {  	_ =	strace $0x90000047  }
0x77: {  	s0 =	stileid.u32;
	[bflag:$0x2] =	sbarrier.arrive $0xFFFF  }
0x78: {  	p0 =	sne.s32 s0, $0x0;
	s0 =	rddreg [dreg:$0x2]  }
0x79: {  	s0 =	sadd.s32 @!p0 $0x100000, s0  }
0x7a: {  	[sflag:s0] =	ssyncadd.tile.s32 @!p0 $0x1;
	_ =	shalt  }
.Lfunc_end2:
_tile_overlayer_lowered:
.L_overlay_start_2:
0x7b: {  	(tag) =	ssettag $0x2  }
0x7c: {  	s0 =	rddreg [dreg:$0x0];
	s2 =	stileid.u32  }
0x7d: {  	s1 =	rddreg [dreg:$0x1];
	p0 =	sne.s32 s2, $0x0  }
0x7e: {  	s3 =	rddreg [dreg:$0x2];
	[bflag:$0x3] =	sbarrier.arrive $0xFFFF;
	s2 =	simm.s32 @!p0 $0x1C11  }
0x7f: {  	[timem:s3], [sflag:s2] =	dma.local @!p0 [hbm:s0], s1  }
0x80: {  	s0 =	simm.s32 @!p0 $0x11  }
0x81: {  	_ =	swait.ge @!p0 [sflag:s0], s1  }
0x82: {  	s1 =	ssub.s32 @!p0 $0x0, s1;
	[sflag:s0] =	ssyncset.done @!p0 $0x0  }
0x83: {  	[sflag:s0] =	ssyncadd.s32 @!p0 s1  }
0x84: {  	[bflag:$0x3] =	sbarrier.arrive $0xFFFF  }
0x85: {  	_ =	shalt  }

// kernel: sparse-core-data-format-call.cloned.1.call-start
scs
called_computation_lowered:
.L_overlay_start_0:
0x0: {  	s2 =	sld [smem:$0x3FD9]  }
0x1: {  	s3 =	sld [smem:$0x3FFE];
	_ =	sdelay $0x1  }
0x2: {  	s1 =	srdreg.scid  }
0x3: {  	s0 =	sand.u32 $0x1, s1  }
0x4: {  	s18 =	sshll.u32 s0, $0xA;
	s2 =	sadd.s32 s3, s2  }
0x5: {  	s2 =	sadd.s32 s2, s18  }
0x6: {  	[smem:$0x3FC6] =	sst s2  }
0x7: {  	_ = 	snop  }
0x8: {  	s2 =	sld [smem:$0x3FD0];
	(tm) =	ssettm $0x1  }
0x9: {  	s19 =	sld [smem:$0x3FFB];
	_ =	sdelay $0x3  }
0xa: {  	_ =	strace s19  }
0xb: {  	s3 =	sld [smem:$0x3FFC];
	_ =	sdelay $0x3  }
0xc: {  	_ =	strace s3  }
0xd: {  	s3 =	sld [smem:$0x3FFD];
	_ =	sdelay $0x3  }
0xe: {  	_ =	strace s3  }
0xf: {  	_ =	strace $0x8FFFFFFF  }
0x10: {  	s20 =	sld [smem:$0x3FDB];
	_ =	sdelay $0x1  }
0x11: {  	s4 =	simm.s32 $_scs_section_size  }
0x12: {  	s5 =	simm.s32 $_size__tile_overlayer_lowered;
	s6 =	simm.s32 $_tile_overlayer_lowered  }
0x13: {  	s23 =	simm.s32 $0x1BFF;
	s22 =	sshll.u32 s6, $0x1;
	s3 =	sadd.s32 s4, s20  }
0x14: {  	s7 =	simm.s32 $0x0;
	s21 =	sshll.u32 s5, $0x1;
	s5 =	sadd.s32 s22, s3  }
0x15: {  	[timem:s7], [sflag:s23] =	dma.local [hbm:s5], s21  }
0x16: {  	_ =	swait.ge [sflag:s23], s21  }
0x17: {  	s4 =	ssub.s32 $0x0, s21;
	[sflag:s23] =	ssyncset.done $0x0  }
0x18: {  	[sflag:s23] =	ssyncadd.s32 s4;
	_ =	sdelay $0x1  }
0x19: {  	s24 =	simm.s32 $0x1B8B  }
0x1a: {  	_ =	swait.ge [sflag:s24], $0x1  }
0x1b: {  	[sflag:s24] =	ssyncset.done $0x0  }
0x1c: {  	s26 =	simm.s32 $0x1B8E;
	s25 =	sld [smem:$0x3FFE];
	[sflag:s24] =	ssyncadd.s32 $0xFFFFFFFF  }
0x1d: {  	s27 =	simm.s32 $execute0_lowered;
	[smem:$0x3FD2] =	sst s26  }
0x1e: {  	s5 =	sshll.u32 s27, $0x1;
	_ =	strace $0x80000049;
	[dreg:$0x1] =	wrdreg $0xFFFFFFFF  }
0x1f: {  	s28 =	simm.s32 $_size_execute0_lowered;
	s3 =	sadd.s32 s3, s5;
	[dreg:$0x0] =	wrdreg $0x0  }
0x20: {  	s5 =	sshll.u32 s28, $0x1;
	[dreg:$0x2] =	wrdreg s3  }
0x21: {  	[dreg:$0x3] =	wrdreg s5  }
0x22: {  	[dreg:$0x4] =	wrdreg $0xC0  }
0x23: {  	_ =	task [dreg:s7], $0x5FFFF  }
0x24: {  	[dreg:$0x1] =	wrdreg $0xFFFFFFFF  }
0x25: {  	[dreg:$0x0] =	wrdreg $0x60  }
0x26: {  	[dreg:$0x2] =	wrdreg s25  }
0x27: {  	[dreg:$0x3] =	wrdreg s2  }
0x28: {  	[dreg:$0x4] =	wrdreg $0x9  }
0x29: {  	_ =	task.clear_ibuf [dreg:s7], $0x5FFFF;
	_ =	strace $0x90000049  }
0x2a: {  	s29 =	simm.s32 $0x9;
	_ =	strace $0x8000004B  }
0x2b: {  	_ =	swait.ge [sflag:s29], $0x1  }
0x2c: {  	[sflag:s29] =	ssyncadd.s32 $0xFFFFFFFF  }
0x2d: {  	_ =	strace $0x9000004B  }
0x2e: {  	_ =	sfence  }
0x2f: {  	s30 =	sld [smem:$0x0];
	_ =	sdelay $0x2  }
0x30: {  	s31 =	sshll.u32 s1, $0xD;
	s1 =	sshrl.u32 s1, $0x2  }
0x31: {  	s3 =	sand.u32 $0x4000, s31;
	s1 =	sadd.s32 s1, s30  }
0x32: {  	s0 =	sor.u32 s3, s0;
	s1 =	sshll.u32 s1, $0x11  }
0x33: {  	s0 =	sor.u32 s1, s0  }
0x34: {  	s0 =	sadd.s32 $0x8F2B, s0  }
0x35: {  	[sflag:s0] =	ssyncadd.remote.s32 $0x1  }
0x36: {  	_ =	sfence.sel $0xFFFF  }
0x37: {  	[dreg:$0x0] =	wrdreg $0xFFFFFFFF;
	(pc) =	sbr.abs _section_cstart, $3  }
0x38: {  	[dreg:$0x1] =	wrdreg $0xFFFFFFFF  }
0x39: {  	_ =	task.clear_ibuf [dreg:s7], $0x2FFFF;
	_ =	strace $0x9FFFFFFF  }
0x3a: {  	(tm) =	ssettm $0x7FFFFFFF  }
0x3b: {  	_ =	shalt  }
tec
execute0_lowered:
.L_overlay_start_1:
0x0: {  	(tag) =	ssettag $0x1  }
0x1: {  	s0 =	srdreg.scid  }
0x2: {  	s1 =	sshll.u32 s0, $0x4  }
0x3: {  	s0 =	stileid.u32;
	s1 =	sand.u32 $0x10, s1  }
0x4: {  	s1 =	sor.u32 s0, s1  }
0x5: {  	s6 =	rddreg [dreg:$0x0];
	s4 =	simm.s32 $0x1;
	s2 =	sshll.u32 s1, $0x7  }
0x6: {  	s7 =	simm.s32 $0x2;
	s12 =	simm.s32 $0x0;
	s1 =	ssub.s32 $0x1000, s2  }
0x7: {  	s8 =	simm.s32 $0x8000;
	s13 =	simm.s32 $0x0;
	s3 =	sand.u32 $0xF80, s1  }
0x8: {  	s9 =	simm.s32 $0x0;
	s5 =	sshrl.u32 s1, $0xC;
	p0 =	sne.s32 s3, $0x0  }
.Ltmp0:
0x9: {  	s1 =	rddreg [dreg:$0x2];
	s4 =	simm.s32 @!p0 $0x0;
	(pc) =	sbr.rel .LBB1_1-.Ltmp0, $4  }
0xa: {  	s11 =	simm.s32 $0x0;
	s3 =	rddreg [dreg:$0x1];
	s5 =	sadd.s32 s4, s5  }
0xb: {  	_ =	strace $0x8000004A;
	s4 =	simm.s32 $0x1;
	s5 =	smul.u32 $0xC8, s5  }
0xc: {  	s6 =	sadd.s32 $0xA000, s6;
	s10 =	smov.u32 s2;
	[sflag:s4] =	ssyncpa.u1 $0x0  }
0xd: {  	p0 =	por $0x0, $0x0;
	[sflag:s7] =	ssyncpa.u1 $0x0;
	s7 =	sor.u32 $0x1, s5  }
.LBB1_4:
0xe: {  	s16 =	sshll.u32 s13, $0x3;
	s17 =	sand.u32 $0x78, s13  }
0xf: {  	s30 =	sand.u32 $0x7E00, s13;
	s12 =	sshll.u32 s12, $0xF;
	s16 =	sand.u32 $0xC00, s16  }
0x10: {  	[tilespmem:s15+$0x810 ss:$0x81] =	vst.msk $0xffff, v2;
	s31 =	sand.u32 $0x7, s13;
	s16 =	sor.u32 s17, s16;
	s17 =	sadd.s32 s3, s30  }
0x11: {  	[tilespmem:s15+$0x1020 ss:$0x81] =	vst.msk $0xffff, v0;
	s13 =	sshll.u32 s31, $0x12;
	s12 =	sadd.s32 s12, s17;
	s16 =	sshrl.u32 s16, $0x3  }
0x12: {  	[tilespmem:s15+$0x0 ss:$0x81] =	vst.msk $0xffff, v1;
	s13 =	sor.u32 $0x400, s13;
	s12 =	sadd.s32 s16, s12  }
0x13: {  	[hbm4b:s12+s13] =	stream.strided.scatter [tilespmem:s14], [sflag:$0x2], $0x2000, s8, s13, $0x20;
	[tilespmem:$0x8080] =	vst v63  }
.LBB1_5:
0x14: {  	s14 =	sadd.s32 $0x1, s9  }
0x15: {  	s12 =	sadd.s32 $0x1000, s10;
	s16 =	smov.u32 s10;
	p2 =	sgt.s32 s14, $0xC7  }
0x16: {  	s16 =	smov.u32 @p2 s12  }
0x17: {  	s14 =	simm.s32 @p2 $0x0;
	p2 =	sgt.s32 s16, $0xFFF  }
0x18: {  	s16 =	smov.u32 @p2 s2;
	p2 =	sne.s32 s11, s7  }
.Ltmp1:
0x19: {  	p1 =	slt.u32 s11, $0x2;
	(pc) =	sbr.rel @!p2 .LBB1_6-.Ltmp1, $4  }
0x1a: {  	s15 =	simm.s32 @!p1 $0x2  }
0x1b: {  	s13 =	smov.u32 s10;
	p0 =	por !p0, !p0;
	_ =	swait.ge @!p1 [sflag:s15], $0x2000  }
0x1c: {  	s12 =	smov.u32 s9;
	[sflag:s15] =	ssyncset.done @!p1 $0x0;
	s9 =	smov.u32 s14  }
0x1d: {  	s11 =	sadd.s32 $0x1, s11;
	[sflag:s15] =	ssyncadd.s32 @!p1 $0xFFFFE000;
	s10 =	smov.u32 s16  }
.LBB1_1:
0x1e: {  	p1 =	sge.u32 s11, s5  }
0x1f: {  	s14 =	sand.u32 @!p1 $0x1FFFFFF, s9  }
0x20: {  	s15 =	smulhi.u32 @!p1 $0x147AE15, s14;
	_ =	sdelay $0x1  }
0x21: {  	s15 =	smul.u32 @!p1 $0xC8, s15  }
0x22: {  	s16 =	sxor.u32 @!p1 $0xFFFFFFFF, s11;
	s17 =	smul.u32 @!p1 $0xC80, s10  }
0x23: {  	s31 =	sadd.s32 $0xFFFFFFFF, s11;
	s16 =	sshll.u32 @!p1 s16, $0xD;
	s14 =	ssub.s32 @!p1 s14, s15  }
0x24: {  	s15 =	sand.u32 @!p1 $0x2000, s16;
	s16 =	sadd.s32 @!p1 s6, s17;
	s14 =	sshll.u32 @!p1 s14, $0x4  }
0x25: {  	s17 =	simm.s32 @!p1 $0x6400;
	s14 =	sadd.s32 @!p1 s14, s16;
	s16 =	simm.s32 @!p1 $0x40  }
0x26: {  	[tilespmem:s15], [sflag:$0x1] =	stream.strided.gather @!p1 [hbm4b:s14+s16], $0x2000, s17, s16, $0x38;
	[tilespmem:$0x8080] =	vst v63  }
0x27: {  	p1 =	sge.u32 s31, s5  }
.Ltmp2:
0x28: {  	_ = 	snop;
	(pc) =	sbr.rel @p1 .LBB1_5-.Ltmp2, $1  }
0x29: {  	_ =	sdelay $0x3  }
0x2a: {  	s14 =	simm.s32 $0x1  }
0x2b: {  	_ =	swait.ge [sflag:s4], $0x2000;
	s14 =	simm.s32 @!p0 $0x0  }
0x2c: {  	[sflag:s4] =	ssyncset.done $0x0;
	s15 =	sshll.u32 s14, $0xD  }
0x2d: {  	[sflag:s4] =	ssyncadd.s32 $0xFFFFE000;
	s18 =	sor.u32 $0x20, s15  }
0x2e: {  	s14 =	smul.u32 $0x8100, s14;
	v3 =	vld [tilespmem:s18+$0x10]  }
0x2f: {  	s30 =	sand.u32 $0x1, s11;
	v2 =	vld [tilespmem:s18+$0xFFFFFFF0]  }
0x30: {  	s15 =	smul.u32 $0x8100, s30;
	s14 =	sshrl.u32 s14, $0x2;
	v0 =	vld [tilespmem:s18+$0x0]  }
0x31: {  	v1 =	vld [tilespmem:s18+$0xFFFFFFE0];
	s16 =	sor.u32 $0x4000, s14  }
0x32: {  	s31 =	sshrl.u32 s15, $0x2;
	s15 =	sadd.s32 $0x0, s16  }
0x33: {  	s17 =	simm.s32 $0x4;
	s18 =	sadd.s32 $0x40, s18;
	s14 =	sor.u32 $0x4000, s31;
	[tilespmem:s15+$0x1830 ss:$0x81] =	vst.msk $0xffff, v3  }
.LBB1_3:
0x34: {  	v3 =	vld [tilespmem:s18+$0x10];
	p1 =	sne.s32 s17, $0x1FC;
	[tilespmem:s15+$0x810 ss:$0x81] =	vst.msk $0xffff, v2;
	s19 =	smov.u32 s17;
	s17 =	sadd.s32 $0x4, s17  }
.Ltmp3:
0x35: {  	v2 =	vld [tilespmem:s18+$0xFFFFFFF0];
	[tilespmem:s15+$0x1020 ss:$0x81] =	vst.msk $0xffff, v0;
	(pc) =	sbr.rel @p1 .LBB1_3-.Ltmp3, $4  }
0x36: {  	v0 =	vld [tilespmem:s18+$0x0];
	[tilespmem:s15+$0x0 ss:$0x81] =	vst.msk $0xffff, v1  }
0x37: {  	s15 =	sshra.s32 s19, $0x2;
	v1 =	vld [tilespmem:s18+$0xFFFFFFE0]  }
0x38: {  	s15 =	sadd.s32 s15, s16  }
0x39: {  	s18 =	sadd.s32 $0x40, s18;
	[tilespmem:s15+$0x1830 ss:$0x81] =	vst.msk $0xffff, v3  }
.Ltmp4:
0x3a: {  	_ = 	snop;
	(pc) =	sbr.rel .LBB1_4-.Ltmp4, $1  }
0x3b: {  	_ =	sdelay $0x3  }
.LBB1_6:
0x3c: {  	_ =	sfence.sel $0x180000  }
0x3d: {  	s2 =	simm.s32 $0x1;
	[bflag:$0x0] =	sbarrier.arrive $0xFFFF  }
0x3e: {  	s31 =	simm.s32 $0x2;
	[sflag:s2] =	ssyncpa.u1 $0x1  }
0x3f: {  	[sflag:s31] =	ssyncpa.u1 $0x1  }
0x40: {  	p0 =	sne.s32 s0, $0x0;
	_ =	strace $0x9000004A  }
0x41: {  	s0 =	sadd.s32 @!p0 $0x100000, s1;
	[bflag:$0x2] =	sbarrier.arrive $0xFFFF  }
0x42: {  	[sflag:s0] =	ssyncadd.tile.s32 @!p0 $0x1;
	_ =	shalt  }
.Lfunc_end1:
_tile_overlayer_lowered:
.L_overlay_start_2:
0x43: {  	(tag) =	ssettag $0x2  }
0x44: {  	s0 =	rddreg [dreg:$0x0];
	s2 =	stileid.u32  }
0x45: {  	s1 =	rddreg [dreg:$0x1];
	p0 =	sne.s32 s2, $0x0  }
0x46: {  	s3 =	rddreg [dreg:$0x2];
	[bflag:$0x3] =	sbarrier.arrive $0xFFFF;
	s2 =	simm.s32 @!p0 $0x1C01  }
0x47: {  	[timem:s3], [sflag:s2] =	dma.local @!p0 [hbm:s0], s1  }
0x48: {  	s0 =	simm.s32 @!p0 $0x1  }
0x49: {  	_ =	swait.ge @!p0 [sflag:s0], s1  }
0x4a: {  	s1 =	ssub.s32 @!p0 $0x0, s1;
	[sflag:s0] =	ssyncset.done @!p0 $0x0  }
0x4b: {  	[sflag:s0] =	ssyncadd.s32 @!p0 s1  }
0x4c: {  	[bflag:$0x3] =	sbarrier.arrive $0xFFFF  }
0x4d: {  	_ =	shalt  }

</sc_bundles>
